<compile_context>
chip_gen: v7x
topology: tpu7x:2x2x1
jax: 0.10.2.dev20260603
libtpu: 0.0.44.dev20260713+nightly
codegen_flags: <defaults>
</compile_context>

<pallas_src>
import jax
import jax.numpy as jnp
from jax import lax
from jax.experimental import pallas as pl
from jax.experimental.pallas import tpu as pltpu
from jax.experimental.pallas import tpu_sc as plsc

M, D, B = 262144, 64, 16384
DW = 128
NC, NS, L = 2, 16, 16
NW = NC * NS
SEG = M // NW
PERW = B // NW
CHUNK = 128
NCHUNK = PERW // CHUNK
POS_BITS = 14
POS_MASK = (1 << POS_BITS) - 1

_mesh = plsc.VectorSubcoreMesh(core_axis_name="c", subcore_axis_name="s")


def _wid():
    return lax.axis_index("s") * NC + lax.axis_index("c")


def _lane_gather(x, perm):
    dnums = lax.GatherDimensionNumbers(
        offset_dims=(), collapsed_slice_dims=(0,), start_index_map=(0,))
    return lax.gather(x, perm[:, None], dnums, (1,),
                      mode=lax.GatherScatterMode.PROMISE_IN_BOUNDS)



def _widen_body(x_ref, o_ref):
    x = x_ref[...]
    o_ref[...] = jnp.concatenate([x, jnp.zeros_like(x)], axis=1)


def _widen(n_rows, grid):
    blk = n_rows // grid
    return pl.pallas_call(
        _widen_body,
        grid=(grid,),
        in_specs=[pl.BlockSpec((blk, D), lambda i: (i, 0))],
        out_specs=pl.BlockSpec((blk, DW), lambda i: (i, 0)),
        out_shape=jax.ShapeDtypeStruct((n_rows, DW), jnp.float32),
    )


_widen_mem = _widen(M, 32)
_widen_val = _widen(B, 4)



def _dedup_body(idx_hbm, w_hbm, idx_v, wseg_v):
    wid = _wid()
    lo = wid * SEG
    pltpu.sync_copy(idx_hbm, idx_v)

    lane = lax.iota(jnp.int32, L)
    nxt_perm = jnp.minimum(lane + 1, L - 1)
    is_last_lane = lane == (L - 1)

    def body(g, _):
        v = idx_v[pl.ds(g * L, L)]
        pos = g * L + lane
        c = lax.shift_left(v, POS_BITS) | pos
        cs, _ = plsc.sort_key_val(c, c)
        row = lax.shift_right_logical(cs, POS_BITS)
        p = cs & POS_MASK
        nxt_row = _lane_gather(row, nxt_perm)
        keep = (row != nxt_row) | is_last_lane
        in_seg = (row >= lo) & (row < lo + SEG)
        m = keep & in_seg
        local = jnp.where(m, row - lo, 0)
        plsc.store_scatter(wseg_v, [local], p, mask=m)
        return 0

    lax.fori_loop(0, B // L, body, 0)
    pltpu.sync_copy(wseg_v, w_hbm.at[pl.ds(lo, SEG)])


_sc_dedup = pl.kernel(
    _dedup_body,
    out_type=jax.ShapeDtypeStruct((M,), jnp.int32),
    mesh=_mesh,
    scratch_types=[
        pltpu.VMEM((B,), jnp.int32),
        pltpu.VMEM((SEG,), jnp.int32),
    ],
    compiler_params=pltpu.CompilerParams(needs_layout_passes=False),
)



def _scatter_body(out_ref, val_hbm, idx_hbm, w_hbm, idx_v, win_v, rows_v, sem):
    wid = _wid()
    base = wid * PERW
    for j in range(NCHUNK):
        pltpu.sync_copy(idx_hbm.at[pl.ds(base + j * CHUNK, CHUNK)], idx_v.at[j])
    for j in range(NCHUNK):
        pltpu.async_copy(w_hbm.at[idx_v.at[j]], win_v.at[j], sem).wait()
    for j in range(NCHUNK):
        pltpu.async_copy(val_hbm.at[win_v.at[j]], rows_v.at[j], sem).wait()
    for j in range(NCHUNK):
        pltpu.async_copy(rows_v.at[j], out_ref.at[idx_v.at[j]], sem).wait()


_sc_scatter = pl.kernel(
    _scatter_body,
    out_type=(),
    mesh=_mesh,
    scratch_types=[
        pltpu.VMEM((NCHUNK, CHUNK), jnp.int32),
        pltpu.VMEM((NCHUNK, CHUNK), jnp.int32),
        pltpu.VMEM((NCHUNK, CHUNK, DW), jnp.float32),
        pltpu.SemaphoreType.DMA,
    ],
)



def kernel(mem, val, idx):
    idx32 = idx.astype(jnp.int32)
    out128 = _widen_mem(mem)
    val128 = _widen_val(val)
    w = _sc_dedup(idx32)
    out_ref = jax.new_ref(out128)
    _sc_scatter(out_ref, val128, idx32, w)
    return jax.freeze(out_ref)[:, :D]

# --- scband reference (transcript-rebuilt; emitter-appended) ---
"""Pipeline reference for scband-reservoir-76424648065078 (READ-ONLY COPY).

The authoritative reference and input builder live on the scoring server;
editing this copy changes nothing except your own understanding.
"""

import jax, jax.numpy as jnp
import numpy as np

M, D, B = 262144, 64, 16384

def setup_inputs(seed: int = 0) -> dict:
    key = jax.random.key(seed)
    k1, k2, k3 = jax.random.split(key, 3)
    mem = jax.random.normal(k1, (M, D), dtype=jnp.float32)
    val = jax.random.normal(k2, (B, D), dtype=jnp.float32)
    idx = jax.random.randint(k3, (B,), 0, M).astype(jnp.int64)
    return {"mem": mem, "val": val, "idx": idx}

def reference(mem, val, idx):
    # Reservoir.add core write path: buffer[ind] = s for each incoming sample.
    # Replacement indices (the np.random.randint(0, self.i) draws, plus the
    # sequential fill indices) are materialized as the int tensor `idx`.
    # The scatter is an overwrite (last write wins on duplicate slots),
    # matching the python loop semantics of buffer[ind] = s.
    new_mem = mem.at[idx].set(val)
    return new_mem

if __name__ == "__main__":
    import jax
    _d = setup_inputs()
    print(jax.jit(kernel)(*tuple(_d.values())))

</pallas_src>

<mosaic_0001>
#map = affine_map<(d0, d1) -> (0, 0)>
#map1 = affine_map<(d0, d1) -> (0)>
module attributes {stable_mosaic.version = 14 : i64} {
  func.func @new_body(%arg0: i32, %arg1: i32, %arg2: memref<262144x128xf32, #tpu.memory_space<hbm>>, %arg3: memref<16384x128xf32, #tpu.memory_space<hbm>>, %arg4: memref<16384xi32, #tpu.memory_space<hbm>>, %arg5: memref<262144xi32, #tpu.memory_space<hbm>>, %arg6: memref<262144x128xf32, #tpu.memory_space<hbm>>, %arg7: memref<4x128xi32, #tpu.memory_space<vmem>>, %arg8: memref<4x128xi32, #tpu.memory_space<vmem>>, %arg9: memref<4x128x128xf32, #tpu.memory_space<vmem>>, %arg10: memref<!tpu.dma_semaphore, #tpu.memory_space<semaphore_mem>>) attributes {dimension_semantics = [#tpu.dimension_semantics<core_parallel>, #tpu.dimension_semantics<subcore_parallel>], iteration_bounds = array<i64: 2, 16>, scalar_prefetch = 0 : i64, scratch_operands = 4 : i64, tpu.core_type = #tpu.core_type<sc_vector_subcore>, window_params = [{transform_indices = #map}, {transform_indices = #map}, {transform_indices = #map1}, {transform_indices = #map1}, {transform_indices = #map}]} {
    %mul3A = arith.constant 2 : i32
    %mul3A_0 = arith.muli %arg1, %mul3A : i32
    %add3A = arith.addi %mul3A_0, %arg0 : i32
    %mul3A_1 = arith.constant 512 : i32
    %mul3A_2 = arith.muli %add3A, %mul3A_1 : i32
    %add3A_3 = arith.constant 0 : i32
    %add3A_4 = arith.addi %mul3A_2, %add3A_3 : i32
    %run_scoped3A = arith.constant 0 : i32
    "tpu.region"() ({
      %run_scoped3A_284 = tpu.sem_alloc : memref<!tpu.dma_semaphore, #tpu.memory_space<semaphore_mem>>
      %dma_start3A_285 = arith.constant 0 : i32
      %dma_start3A_286 = tpu.memref_slice %arg7[%run_scoped3A, %dma_start3A_285] : memref<4x128xi32, #tpu.memory_space<vmem>> -> memref<1x128xi32, #tpu.memory_space<vmem>>
      %dma_start3A_287 = tpu.memref_squeeze %dma_start3A_286 : memref<1x128xi32, #tpu.memory_space<vmem>> -> memref<128xi32, #tpu.memory_space<vmem>>
      %dma_start3A_288 = tpu.memref_slice %arg4[%add3A_4] : memref<16384xi32, #tpu.memory_space<hbm>> -> memref<128xi32, #tpu.memory_space<hbm>>
      %dma_start3A_289 = arith.constant 0 : i32
      %dma_start3A_290 = tpu.memref_slice %arg7[%run_scoped3A, %dma_start3A_289] : memref<4x128xi32, #tpu.memory_space<vmem>> -> memref<1x128xi32, #tpu.memory_space<vmem>>
      %dma_start3A_291 = tpu.memref_squeeze %dma_start3A_290 : memref<1x128xi32, #tpu.memory_space<vmem>> -> memref<128xi32, #tpu.memory_space<vmem>>
      %dma_start3A_292 = tpu.memref_slice %arg4[%add3A_4] : memref<16384xi32, #tpu.memory_space<hbm>> -> memref<128xi32, #tpu.memory_space<hbm>>
      tpu.enqueue_dma source(%dma_start3A_292 : memref<128xi32, #tpu.memory_space<hbm>>) target(%dma_start3A_291 : memref<128xi32, #tpu.memory_space<vmem>>) target_semaphore(%run_scoped3A_284 : memref<!tpu.dma_semaphore, #tpu.memory_space<semaphore_mem>>)
      %dma_wait3A_293 = arith.constant 0 : i32
      %dma_wait3A_294 = tpu.memref_slice %arg7[%run_scoped3A, %dma_wait3A_293] : memref<4x128xi32, #tpu.memory_space<vmem>> -> memref<1x128xi32, #tpu.memory_space<vmem>>
      %dma_wait3A_295 = tpu.memref_squeeze %dma_wait3A_294 : memref<1x128xi32, #tpu.memory_space<vmem>> -> memref<128xi32, #tpu.memory_space<vmem>>
      %dma_wait3A_296 = tpu.memref_slice %arg4[%add3A_4] : memref<16384xi32, #tpu.memory_space<hbm>> -> memref<128xi32, #tpu.memory_space<hbm>>
      %dma_wait3A_297 = arith.constant 0 : i32
      %dma_wait3A_298 = tpu.memref_slice %arg7[%run_scoped3A, %dma_wait3A_297] : memref<4x128xi32, #tpu.memory_space<vmem>> -> memref<1x128xi32, #tpu.memory_space<vmem>>
      %dma_wait3A_299 = tpu.memref_squeeze %dma_wait3A_298 : memref<1x128xi32, #tpu.memory_space<vmem>> -> memref<128xi32, #tpu.memory_space<vmem>>
      %dma_wait3A_300 = tpu.memref_slice %arg4[%add3A_4] : memref<16384xi32, #tpu.memory_space<hbm>> -> memref<128xi32, #tpu.memory_space<hbm>>
      tpu.wait_dma2 semaphore(%run_scoped3A_284 : memref<!tpu.dma_semaphore, #tpu.memory_space<semaphore_mem>>) src(%dma_wait3A_300 : memref<128xi32, #tpu.memory_space<hbm>>) dst(%dma_wait3A_299 : memref<128xi32, #tpu.memory_space<vmem>>)
      tpu.yield
    }) : () -> ()
    %add3A_5 = arith.constant 128 : i32
    %add3A_6 = arith.addi %mul3A_2, %add3A_5 : i32
    %run_scoped3A_7 = arith.constant 1 : i32
    "tpu.region"() ({
      %run_scoped3A_284 = tpu.sem_alloc : memref<!tpu.dma_semaphore, #tpu.memory_space<semaphore_mem>>
      %dma_start3A_285 = arith.constant 0 : i32
      %dma_start3A_286 = tpu.memref_slice %arg7[%run_scoped3A_7, %dma_start3A_285] : memref<4x128xi32, #tpu.memory_space<vmem>> -> memref<1x128xi32, #tpu.memory_space<vmem>>
      %dma_start3A_287 = tpu.memref_squeeze %dma_start3A_286 : memref<1x128xi32, #tpu.memory_space<vmem>> -> memref<128xi32, #tpu.memory_space<vmem>>
      %dma_start3A_288 = tpu.memref_slice %arg4[%add3A_6] : memref<16384xi32, #tpu.memory_space<hbm>> -> memref<128xi32, #tpu.memory_space<hbm>>
      %dma_start3A_289 = arith.constant 0 : i32
      %dma_start3A_290 = tpu.memref_slice %arg7[%run_scoped3A_7, %dma_start3A_289] : memref<4x128xi32, #tpu.memory_space<vmem>> -> memref<1x128xi32, #tpu.memory_space<vmem>>
      %dma_start3A_291 = tpu.memref_squeeze %dma_start3A_290 : memref<1x128xi32, #tpu.memory_space<vmem>> -> memref<128xi32, #tpu.memory_space<vmem>>
      %dma_start3A_292 = tpu.memref_slice %arg4[%add3A_6] : memref<16384xi32, #tpu.memory_space<hbm>> -> memref<128xi32, #tpu.memory_space<hbm>>
      tpu.enqueue_dma source(%dma_start3A_292 : memref<128xi32, #tpu.memory_space<hbm>>) target(%dma_start3A_291 : memref<128xi32, #tpu.memory_space<vmem>>) target_semaphore(%run_scoped3A_284 : memref<!tpu.dma_semaphore, #tpu.memory_space<semaphore_mem>>)
      %dma_wait3A_293 = arith.constant 0 : i32
      %dma_wait3A_294 = tpu.memref_slice %arg7[%run_scoped3A_7, %dma_wait3A_293] : memref<4x128xi32, #tpu.memory_space<vmem>> -> memref<1x128xi32, #tpu.memory_space<vmem>>
      %dma_wait3A_295 = tpu.memref_squeeze %dma_wait3A_294 : memref<1x128xi32, #tpu.memory_space<vmem>> -> memref<128xi32, #tpu.memory_space<vmem>>
      %dma_wait3A_296 = tpu.memref_slice %arg4[%add3A_6] : memref<16384xi32, #tpu.memory_space<hbm>> -> memref<128xi32, #tpu.memory_space<hbm>>
      %dma_wait3A_297 = arith.constant 0 : i32
      %dma_wait3A_298 = tpu.memref_slice %arg7[%run_scoped3A_7, %dma_wait3A_297] : memref<4x128xi32, #tpu.memory_space<vmem>> -> memref<1x128xi32, #tpu.memory_space<vmem>>
      %dma_wait3A_299 = tpu.memref_squeeze %dma_wait3A_298 : memref<1x128xi32, #tpu.memory_space<vmem>> -> memref<128xi32, #tpu.memory_space<vmem>>
      %dma_wait3A_300 = tpu.memref_slice %arg4[%add3A_6] : memref<16384xi32, #tpu.memory_space<hbm>> -> memref<128xi32, #tpu.memory_space<hbm>>
      tpu.wait_dma2 semaphore(%run_scoped3A_284 : memref<!tpu.dma_semaphore, #tpu.memory_space<semaphore_mem>>) src(%dma_wait3A_300 : memref<128xi32, #tpu.memory_space<hbm>>) dst(%dma_wait3A_299 : memref<128xi32, #tpu.memory_space<vmem>>)
      tpu.yield
    }) : () -> ()
    %add3A_8 = arith.constant 256 : i32
    %add3A_9 = arith.addi %mul3A_2, %add3A_8 : i32
    %run_scoped3A_10 = arith.constant 2 : i32
    "tpu.region"() ({
      %run_scoped3A_284 = tpu.sem_alloc : memref<!tpu.dma_semaphore, #tpu.memory_space<semaphore_mem>>
      %dma_start3A_285 = arith.constant 0 : i32
      %dma_start3A_286 = tpu.memref_slice %arg7[%run_scoped3A_10, %dma_start3A_285] : memref<4x128xi32, #tpu.memory_space<vmem>> -> memref<1x128xi32, #tpu.memory_space<vmem>>
      %dma_start3A_287 = tpu.memref_squeeze %dma_start3A_286 : memref<1x128xi32, #tpu.memory_space<vmem>> -> memref<128xi32, #tpu.memory_space<vmem>>
      %dma_start3A_288 = tpu.memref_slice %arg4[%add3A_9] : memref<16384xi32, #tpu.memory_space<hbm>> -> memref<128xi32, #tpu.memory_space<hbm>>
      %dma_start3A_289 = arith.constant 0 : i32
      %dma_start3A_290 = tpu.memref_slice %arg7[%run_scoped3A_10, %dma_start3A_289] : memref<4x128xi32, #tpu.memory_space<vmem>> -> memref<1x128xi32, #tpu.memory_space<vmem>>
      %dma_start3A_291 = tpu.memref_squeeze %dma_start3A_290 : memref<1x128xi32, #tpu.memory_space<vmem>> -> memref<128xi32, #tpu.memory_space<vmem>>
      %dma_start3A_292 = tpu.memref_slice %arg4[%add3A_9] : memref<16384xi32, #tpu.memory_space<hbm>> -> memref<128xi32, #tpu.memory_space<hbm>>
      tpu.enqueue_dma source(%dma_start3A_292 : memref<128xi32, #tpu.memory_space<hbm>>) target(%dma_start3A_291 : memref<128xi32, #tpu.memory_space<vmem>>) target_semaphore(%run_scoped3A_284 : memref<!tpu.dma_semaphore, #tpu.memory_space<semaphore_mem>>)
      %dma_wait3A_293 = arith.constant 0 : i32
      %dma_wait3A_294 = tpu.memref_slice %arg7[%run_scoped3A_10, %dma_wait3A_293] : memref<4x128xi32, #tpu.memory_space<vmem>> -> memref<1x128xi32, #tpu.memory_space<vmem>>
      %dma_wait3A_295 = tpu.memref_squeeze %dma_wait3A_294 : memref<1x128xi32, #tpu.memory_space<vmem>> -> memref<128xi32, #tpu.memory_space<vmem>>
      %dma_wait3A_296 = tpu.memref_slice %arg4[%add3A_9] : memref<16384xi32, #tpu.memory_space<hbm>> -> memref<128xi32, #tpu.memory_space<hbm>>
      %dma_wait3A_297 = arith.constant 0 : i32
      %dma_wait3A_298 = tpu.memref_slice %arg7[%run_scoped3A_10, %dma_wait3A_297] : memref<4x128xi32, #tpu.memory_space<vmem>> -> memref<1x128xi32, #tpu.memory_space<vmem>>
      %dma_wait3A_299 = tpu.memref_squeeze %dma_wait3A_298 : memref<1x128xi32, #tpu.memory_space<vmem>> -> memref<128xi32, #tpu.memory_space<vmem>>
      %dma_wait3A_300 = tpu.memref_slice %arg4[%add3A_9] : memref<16384xi32, #tpu.memory_space<hbm>> -> memref<128xi32, #tpu.memory_space<hbm>>
      tpu.wait_dma2 semaphore(%run_scoped3A_284 : memref<!tpu.dma_semaphore, #tpu.memory_space<semaphore_mem>>) src(%dma_wait3A_300 : memref<128xi32, #tpu.memory_space<hbm>>) dst(%dma_wait3A_299 : memref<128xi32, #tpu.memory_space<vmem>>)
      tpu.yield
    }) : () -> ()
    %add3A_11 = arith.constant 384 : i32
    %add3A_12 = arith.addi %mul3A_2, %add3A_11 : i32
    %run_scoped3A_13 = arith.constant 3 : i32
    "tpu.region"() ({
      %run_scoped3A_284 = tpu.sem_alloc : memref<!tpu.dma_semaphore, #tpu.memory_space<semaphore_mem>>
      %dma_start3A_285 = arith.constant 0 : i32
      %dma_start3A_286 = tpu.memref_slice %arg7[%run_scoped3A_13, %dma_start3A_285] : memref<4x128xi32, #tpu.memory_space<vmem>> -> memref<1x128xi32, #tpu.memory_space<vmem>>
      %dma_start3A_287 = tpu.memref_squeeze %dma_start3A_286 : memref<1x128xi32, #tpu.memory_space<vmem>> -> memref<128xi32, #tpu.memory_space<vmem>>
      %dma_start3A_288 = tpu.memref_slice %arg4[%add3A_12] : memref<16384xi32, #tpu.memory_space<hbm>> -> memref<128xi32, #tpu.memory_space<hbm>>
      %dma_start3A_289 = arith.constant 0 : i32
      %dma_start3A_290 = tpu.memref_slice %arg7[%run_scoped3A_13, %dma_start3A_289] : memref<4x128xi32, #tpu.memory_space<vmem>> -> memref<1x128xi32, #tpu.memory_space<vmem>>
      %dma_start3A_291 = tpu.memref_squeeze %dma_start3A_290 : memref<1x128xi32, #tpu.memory_space<vmem>> -> memref<128xi32, #tpu.memory_space<vmem>>
      %dma_start3A_292 = tpu.memref_slice %arg4[%add3A_12] : memref<16384xi32, #tpu.memory_space<hbm>> -> memref<128xi32, #tpu.memory_space<hbm>>
      tpu.enqueue_dma source(%dma_start3A_292 : memref<128xi32, #tpu.memory_space<hbm>>) target(%dma_start3A_291 : memref<128xi32, #tpu.memory_space<vmem>>) target_semaphore(%run_scoped3A_284 : memref<!tpu.dma_semaphore, #tpu.memory_space<semaphore_mem>>)
      %dma_wait3A_293 = arith.constant 0 : i32
      %dma_wait3A_294 = tpu.memref_slice %arg7[%run_scoped3A_13, %dma_wait3A_293] : memref<4x128xi32, #tpu.memory_space<vmem>> -> memref<1x128xi32, #tpu.memory_space<vmem>>
      %dma_wait3A_295 = tpu.memref_squeeze %dma_wait3A_294 : memref<1x128xi32, #tpu.memory_space<vmem>> -> memref<128xi32, #tpu.memory_space<vmem>>
      %dma_wait3A_296 = tpu.memref_slice %arg4[%add3A_12] : memref<16384xi32, #tpu.memory_space<hbm>> -> memref<128xi32, #tpu.memory_space<hbm>>
      %dma_wait3A_297 = arith.constant 0 : i32
      %dma_wait3A_298 = tpu.memref_slice %arg7[%run_scoped3A_13, %dma_wait3A_297] : memref<4x128xi32, #tpu.memory_space<vmem>> -> memref<1x128xi32, #tpu.memory_space<vmem>>
      %dma_wait3A_299 = tpu.memref_squeeze %dma_wait3A_298 : memref<1x128xi32, #tpu.memory_space<vmem>> -> memref<128xi32, #tpu.memory_space<vmem>>
      %dma_wait3A_300 = tpu.memref_slice %arg4[%add3A_12] : memref<16384xi32, #tpu.memory_space<hbm>> -> memref<128xi32, #tpu.memory_space<hbm>>
      tpu.wait_dma2 semaphore(%run_scoped3A_284 : memref<!tpu.dma_semaphore, #tpu.memory_space<semaphore_mem>>) src(%dma_wait3A_300 : memref<128xi32, #tpu.memory_space<hbm>>) dst(%dma_wait3A_299 : memref<128xi32, #tpu.memory_space<vmem>>)
      tpu.yield
    }) : () -> ()
    %dma_start3A = arith.constant 0 : i32
    %dma_start3A_14 = arith.constant 0 : i32
    %dma_start3A_15 = arith.constant 0 : i32
    %dma_start3A_16 = tpu.memref_slice %arg8[%dma_start3A_14, %dma_start3A_15] : memref<4x128xi32, #tpu.memory_space<vmem>> -> memref<1x128xi32, #tpu.memory_space<vmem>>
    %dma_start3A_17 = tpu.memref_squeeze %dma_start3A_16 : memref<1x128xi32, #tpu.memory_space<vmem>> -> memref<128xi32, #tpu.memory_space<vmem>>
    %dma_start3A_18 = arith.constant 0 : i32
    %dma_start3A_19 = tpu.memref_slice %arg7[%dma_start3A, %dma_start3A_18] : memref<4x128xi32, #tpu.memory_space<vmem>> -> memref<1x128xi32, #tpu.memory_space<vmem>>
    %dma_start3A_20 = tpu.memref_squeeze %dma_start3A_19 : memref<1x128xi32, #tpu.memory_space<vmem>> -> memref<128xi32, #tpu.memory_space<vmem>>
    %dma_start3A_21 = arith.constant 0 : i32
    %dma_start3A_22 = tpu.memref_slice %arg5[%dma_start3A_21] : memref<262144xi32, #tpu.memory_space<hbm>> -> memref<262144xi32, #tpu.memory_space<hbm>>
    tpu.enqueue_indirect_dma source(%dma_start3A_22 : memref<262144xi32, #tpu.memory_space<hbm>>) target(%dma_start3A_17 : memref<128xi32, #tpu.memory_space<vmem>>) offsets(%dma_start3A_20 : memref<128xi32, #tpu.memory_space<vmem>>) semaphore(%arg10 : memref<!tpu.dma_semaphore, #tpu.memory_space<semaphore_mem>>)
    %dma_wait3A = arith.constant 0 : i32
    %dma_wait3A_23 = arith.constant 0 : i32
    %dma_wait3A_24 = arith.constant 0 : i32
    %dma_wait3A_25 = tpu.memref_slice %arg8[%dma_wait3A_23, %dma_wait3A_24] : memref<4x128xi32, #tpu.memory_space<vmem>> -> memref<1x128xi32, #tpu.memory_space<vmem>>
    %dma_wait3A_26 = tpu.memref_squeeze %dma_wait3A_25 : memref<1x128xi32, #tpu.memory_space<vmem>> -> memref<128xi32, #tpu.memory_space<vmem>>
    %dma_wait3A_27 = arith.constant 0 : i32
    %dma_wait3A_28 = tpu.memref_slice %arg7[%dma_wait3A, %dma_wait3A_27] : memref<4x128xi32, #tpu.memory_space<vmem>> -> memref<1x128xi32, #tpu.memory_space<vmem>>
    %dma_wait3A_29 = tpu.memref_squeeze %dma_wait3A_28 : memref<1x128xi32, #tpu.memory_space<vmem>> -> memref<128xi32, #tpu.memory_space<vmem>>
    %dma_wait3A_30 = arith.constant 0 : i32
    %dma_wait3A_31 = tpu.memref_slice %arg5[%dma_wait3A_30] : memref<262144xi32, #tpu.memory_space<hbm>> -> memref<262144xi32, #tpu.memory_space<hbm>>
    tpu.wait_indirect_dma semaphore(%arg10 : memref<!tpu.dma_semaphore, #tpu.memory_space<semaphore_mem>>) src(%dma_wait3A_31 : memref<262144xi32, #tpu.memory_space<hbm>>) dst(%dma_wait3A_26 : memref<128xi32, #tpu.memory_space<vmem>>)
    %dma_start3A_32 = arith.constant 1 : i32
    %dma_start3A_33 = arith.constant 1 : i32
    %dma_start3A_34 = arith.constant 0 : i32
    %dma_start3A_35 = tpu.memref_slice %arg8[%dma_start3A_33, %dma_start3A_34] : memref<4x128xi32, #tpu.memory_space<vmem>> -> memref<1x128xi32, #tpu.memory_space<vmem>>
    %dma_start3A_36 = tpu.memref_squeeze %dma_start3A_35 : memref<1x128xi32, #tpu.memory_space<vmem>> -> memref<128xi32, #tpu.memory_space<vmem>>
    %dma_start3A_37 = arith.constant 0 : i32
    %dma_start3A_38 = tpu.memref_slice %arg7[%dma_start3A_32, %dma_start3A_37] : memref<4x128xi32, #tpu.memory_space<vmem>> -> memref<1x128xi32, #tpu.memory_space<vmem>>
    %dma_start3A_39 = tpu.memref_squeeze %dma_start3A_38 : memref<1x128xi32, #tpu.memory_space<vmem>> -> memref<128xi32, #tpu.memory_space<vmem>>
    %dma_start3A_40 = arith.constant 0 : i32
    %dma_start3A_41 = tpu.memref_slice %arg5[%dma_start3A_40] : memref<262144xi32, #tpu.memory_space<hbm>> -> memref<262144xi32, #tpu.memory_space<hbm>>
    tpu.enqueue_indirect_dma source(%dma_start3A_41 : memref<262144xi32, #tpu.memory_space<hbm>>) target(%dma_start3A_36 : memref<128xi32, #tpu.memory_space<vmem>>) offsets(%dma_start3A_39 : memref<128xi32, #tpu.memory_space<vmem>>) semaphore(%arg10 : memref<!tpu.dma_semaphore, #tpu.memory_space<semaphore_mem>>)
    %dma_wait3A_42 = arith.constant 1 : i32
    %dma_wait3A_43 = arith.constant 1 : i32
    %dma_wait3A_44 = arith.constant 0 : i32
    %dma_wait3A_45 = tpu.memref_slice %arg8[%dma_wait3A_43, %dma_wait3A_44] : memref<4x128xi32, #tpu.memory_space<vmem>> -> memref<1x128xi32, #tpu.memory_space<vmem>>
    %dma_wait3A_46 = tpu.memref_squeeze %dma_wait3A_45 : memref<1x128xi32, #tpu.memory_space<vmem>> -> memref<128xi32, #tpu.memory_space<vmem>>
    %dma_wait3A_47 = arith.constant 0 : i32
    %dma_wait3A_48 = tpu.memref_slice %arg7[%dma_wait3A_42, %dma_wait3A_47] : memref<4x128xi32, #tpu.memory_space<vmem>> -> memref<1x128xi32, #tpu.memory_space<vmem>>
    %dma_wait3A_49 = tpu.memref_squeeze %dma_wait3A_48 : memref<1x128xi32, #tpu.memory_space<vmem>> -> memref<128xi32, #tpu.memory_space<vmem>>
    %dma_wait3A_50 = arith.constant 0 : i32
    %dma_wait3A_51 = tpu.memref_slice %arg5[%dma_wait3A_50] : memref<262144xi32, #tpu.memory_space<hbm>> -> memref<262144xi32, #tpu.memory_space<hbm>>
    tpu.wait_indirect_dma semaphore(%arg10 : memref<!tpu.dma_semaphore, #tpu.memory_space<semaphore_mem>>) src(%dma_wait3A_51 : memref<262144xi32, #tpu.memory_space<hbm>>) dst(%dma_wait3A_46 : memref<128xi32, #tpu.memory_space<vmem>>)
    %dma_start3A_52 = arith.constant 2 : i32
    %dma_start3A_53 = arith.constant 2 : i32
    %dma_start3A_54 = arith.constant 0 : i32
    %dma_start3A_55 = tpu.memref_slice %arg8[%dma_start3A_53, %dma_start3A_54] : memref<4x128xi32, #tpu.memory_space<vmem>> -> memref<1x128xi32, #tpu.memory_space<vmem>>
    %dma_start3A_56 = tpu.memref_squeeze %dma_start3A_55 : memref<1x128xi32, #tpu.memory_space<vmem>> -> memref<128xi32, #tpu.memory_space<vmem>>
    %dma_start3A_57 = arith.constant 0 : i32
    %dma_start3A_58 = tpu.memref_slice %arg7[%dma_start3A_52, %dma_start3A_57] : memref<4x128xi32, #tpu.memory_space<vmem>> -> memref<1x128xi32, #tpu.memory_space<vmem>>
    %dma_start3A_59 = tpu.memref_squeeze %dma_start3A_58 : memref<1x128xi32, #tpu.memory_space<vmem>> -> memref<128xi32, #tpu.memory_space<vmem>>
    %dma_start3A_60 = arith.constant 0 : i32
    %dma_start3A_61 = tpu.memref_slice %arg5[%dma_start3A_60] : memref<262144xi32, #tpu.memory_space<hbm>> -> memref<262144xi32, #tpu.memory_space<hbm>>
    tpu.enqueue_indirect_dma source(%dma_start3A_61 : memref<262144xi32, #tpu.memory_space<hbm>>) target(%dma_start3A_56 : memref<128xi32, #tpu.memory_space<vmem>>) offsets(%dma_start3A_59 : memref<128xi32, #tpu.memory_space<vmem>>) semaphore(%arg10 : memref<!tpu.dma_semaphore, #tpu.memory_space<semaphore_mem>>)
    %dma_wait3A_62 = arith.constant 2 : i32
    %dma_wait3A_63 = arith.constant 2 : i32
    %dma_wait3A_64 = arith.constant 0 : i32
    %dma_wait3A_65 = tpu.memref_slice %arg8[%dma_wait3A_63, %dma_wait3A_64] : memref<4x128xi32, #tpu.memory_space<vmem>> -> memref<1x128xi32, #tpu.memory_space<vmem>>
    %dma_wait3A_66 = tpu.memref_squeeze %dma_wait3A_65 : memref<1x128xi32, #tpu.memory_space<vmem>> -> memref<128xi32, #tpu.memory_space<vmem>>
    %dma_wait3A_67 = arith.constant 0 : i32
    %dma_wait3A_68 = tpu.memref_slice %arg7[%dma_wait3A_62, %dma_wait3A_67] : memref<4x128xi32, #tpu.memory_space<vmem>> -> memref<1x128xi32, #tpu.memory_space<vmem>>
    %dma_wait3A_69 = tpu.memref_squeeze %dma_wait3A_68 : memref<1x128xi32, #tpu.memory_space<vmem>> -> memref<128xi32, #tpu.memory_space<vmem>>
    %dma_wait3A_70 = arith.constant 0 : i32
    %dma_wait3A_71 = tpu.memref_slice %arg5[%dma_wait3A_70] : memref<262144xi32, #tpu.memory_space<hbm>> -> memref<262144xi32, #tpu.memory_space<hbm>>
    tpu.wait_indirect_dma semaphore(%arg10 : memref<!tpu.dma_semaphore, #tpu.memory_space<semaphore_mem>>) src(%dma_wait3A_71 : memref<262144xi32, #tpu.memory_space<hbm>>) dst(%dma_wait3A_66 : memref<128xi32, #tpu.memory_space<vmem>>)
    %dma_start3A_72 = arith.constant 3 : i32
    %dma_start3A_73 = arith.constant 3 : i32
    %dma_start3A_74 = arith.constant 0 : i32
    %dma_start3A_75 = tpu.memref_slice %arg8[%dma_start3A_73, %dma_start3A_74] : memref<4x128xi32, #tpu.memory_space<vmem>> -> memref<1x128xi32, #tpu.memory_space<vmem>>
    %dma_start3A_76 = tpu.memref_squeeze %dma_start3A_75 : memref<1x128xi32, #tpu.memory_space<vmem>> -> memref<128xi32, #tpu.memory_space<vmem>>
    %dma_start3A_77 = arith.constant 0 : i32
    %dma_start3A_78 = tpu.memref_slice %arg7[%dma_start3A_72, %dma_start3A_77] : memref<4x128xi32, #tpu.memory_space<vmem>> -> memref<1x128xi32, #tpu.memory_space<vmem>>
    %dma_start3A_79 = tpu.memref_squeeze %dma_start3A_78 : memref<1x128xi32, #tpu.memory_space<vmem>> -> memref<128xi32, #tpu.memory_space<vmem>>
    %dma_start3A_80 = arith.constant 0 : i32
    %dma_start3A_81 = tpu.memref_slice %arg5[%dma_start3A_80] : memref<262144xi32, #tpu.memory_space<hbm>> -> memref<262144xi32, #tpu.memory_space<hbm>>
    tpu.enqueue_indirect_dma source(%dma_start3A_81 : memref<262144xi32, #tpu.memory_space<hbm>>) target(%dma_start3A_76 : memref<128xi32, #tpu.memory_space<vmem>>) offsets(%dma_start3A_79 : memref<128xi32, #tpu.memory_space<vmem>>) semaphore(%arg10 : memref<!tpu.dma_semaphore, #tpu.memory_space<semaphore_mem>>)
    %dma_wait3A_82 = arith.constant 3 : i32
    %dma_wait3A_83 = arith.constant 3 : i32
    %dma_wait3A_84 = arith.constant 0 : i32
    %dma_wait3A_85 = tpu.memref_slice %arg8[%dma_wait3A_83, %dma_wait3A_84] : memref<4x128xi32, #tpu.memory_space<vmem>> -> memref<1x128xi32, #tpu.memory_space<vmem>>
    %dma_wait3A_86 = tpu.memref_squeeze %dma_wait3A_85 : memref<1x128xi32, #tpu.memory_space<vmem>> -> memref<128xi32, #tpu.memory_space<vmem>>
    %dma_wait3A_87 = arith.constant 0 : i32
    %dma_wait3A_88 = tpu.memref_slice %arg7[%dma_wait3A_82, %dma_wait3A_87] : memref<4x128xi32, #tpu.memory_space<vmem>> -> memref<1x128xi32, #tpu.memory_space<vmem>>
    %dma_wait3A_89 = tpu.memref_squeeze %dma_wait3A_88 : memref<1x128xi32, #tpu.memory_space<vmem>> -> memref<128xi32, #tpu.memory_space<vmem>>
    %dma_wait3A_90 = arith.constant 0 : i32
    %dma_wait3A_91 = tpu.memref_slice %arg5[%dma_wait3A_90] : memref<262144xi32, #tpu.memory_space<hbm>> -> memref<262144xi32, #tpu.memory_space<hbm>>
    tpu.wait_indirect_dma semaphore(%arg10 : memref<!tpu.dma_semaphore, #tpu.memory_space<semaphore_mem>>) src(%dma_wait3A_91 : memref<262144xi32, #tpu.memory_space<hbm>>) dst(%dma_wait3A_86 : memref<128xi32, #tpu.memory_space<vmem>>)
    %dma_start3A_92 = arith.constant 0 : i32
    %dma_start3A_93 = arith.constant 0 : i32
    %dma_start3A_94 = arith.constant 0 : i32
    %dma_start3A_95 = arith.constant 0 : i32
    %dma_start3A_96 = tpu.memref_slice %arg9[%dma_start3A_93, %dma_start3A_94, %dma_start3A_95] : memref<4x128x128xf32, #tpu.memory_space<vmem>> -> memref<1x128x128xf32, #tpu.memory_space<vmem>>
    %dma_start3A_97 = tpu.memref_squeeze %dma_start3A_96 : memref<1x128x128xf32, #tpu.memory_space<vmem>> -> memref<128x128xf32, #tpu.memory_space<vmem>>
    %dma_start3A_98 = arith.constant 0 : i32
    %dma_start3A_99 = tpu.memref_slice %arg8[%dma_start3A_92, %dma_start3A_98] : memref<4x128xi32, #tpu.memory_space<vmem>> -> memref<1x128xi32, #tpu.memory_space<vmem>>
    %dma_start3A_100 = tpu.memref_squeeze %dma_start3A_99 : memref<1x128xi32, #tpu.memory_space<vmem>> -> memref<128xi32, #tpu.memory_space<vmem>>
    %dma_start3A_101 = arith.constant 0 : i32
    %dma_start3A_102 = arith.constant 0 : i32
    %dma_start3A_103 = tpu.memref_slice %arg3[%dma_start3A_101, %dma_start3A_102] : memref<16384x128xf32, #tpu.memory_space<hbm>> -> memref<16384x128xf32, #tpu.memory_space<hbm>>
    tpu.enqueue_indirect_dma source(%dma_start3A_103 : memref<16384x128xf32, #tpu.memory_space<hbm>>) target(%dma_start3A_97 : memref<128x128xf32, #tpu.memory_space<vmem>>) offsets(%dma_start3A_100 : memref<128xi32, #tpu.memory_space<vmem>>) semaphore(%arg10 : memref<!tpu.dma_semaphore, #tpu.memory_space<semaphore_mem>>)
    %dma_wait3A_104 = arith.constant 0 : i32
    %dma_wait3A_105 = arith.constant 0 : i32
    %dma_wait3A_106 = arith.constant 0 : i32
    %dma_wait3A_107 = arith.constant 0 : i32
    %dma_wait3A_108 = tpu.memref_slice %arg9[%dma_wait3A_105, %dma_wait3A_106, %dma_wait3A_107] : memref<4x128x128xf32, #tpu.memory_space<vmem>> -> memref<1x128x128xf32, #tpu.memory_space<vmem>>
    %dma_wait3A_109 = tpu.memref_squeeze %dma_wait3A_108 : memref<1x128x128xf32, #tpu.memory_space<vmem>> -> memref<128x128xf32, #tpu.memory_space<vmem>>
    %dma_wait3A_110 = arith.constant 0 : i32
    %dma_wait3A_111 = tpu.memref_slice %arg8[%dma_wait3A_104, %dma_wait3A_110] : memref<4x128xi32, #tpu.memory_space<vmem>> -> memref<1x128xi32, #tpu.memory_space<vmem>>
    %dma_wait3A_112 = tpu.memref_squeeze %dma_wait3A_111 : memref<1x128xi32, #tpu.memory_space<vmem>> -> memref<128xi32, #tpu.memory_space<vmem>>
    %dma_wait3A_113 = arith.constant 0 : i32
    %dma_wait3A_114 = arith.constant 0 : i32
    %dma_wait3A_115 = tpu.memref_slice %arg3[%dma_wait3A_113, %dma_wait3A_114] : memref<16384x128xf32, #tpu.memory_space<hbm>> -> memref<16384x128xf32, #tpu.memory_space<hbm>>
    tpu.wait_indirect_dma semaphore(%arg10 : memref<!tpu.dma_semaphore, #tpu.memory_space<semaphore_mem>>) src(%dma_wait3A_115 : memref<16384x128xf32, #tpu.memory_space<hbm>>) dst(%dma_wait3A_109 : memref<128x128xf32, #tpu.memory_space<vmem>>)
    %dma_start3A_116 = arith.constant 1 : i32
    %dma_start3A_117 = arith.constant 1 : i32
    %dma_start3A_118 = arith.constant 0 : i32
    %dma_start3A_119 = arith.constant 0 : i32
    %dma_start3A_120 = tpu.memref_slice %arg9[%dma_start3A_117, %dma_start3A_118, %dma_start3A_119] : memref<4x128x128xf32, #tpu.memory_space<vmem>> -> memref<1x128x128xf32, #tpu.memory_space<vmem>>
    %dma_start3A_121 = tpu.memref_squeeze %dma_start3A_120 : memref<1x128x128xf32, #tpu.memory_space<vmem>> -> memref<128x128xf32, #tpu.memory_space<vmem>>
    %dma_start3A_122 = arith.constant 0 : i32
    %dma_start3A_123 = tpu.memref_slice %arg8[%dma_start3A_116, %dma_start3A_122] : memref<4x128xi32, #tpu.memory_space<vmem>> -> memref<1x128xi32, #tpu.memory_space<vmem>>
    %dma_start3A_124 = tpu.memref_squeeze %dma_start3A_123 : memref<1x128xi32, #tpu.memory_space<vmem>> -> memref<128xi32, #tpu.memory_space<vmem>>
    %dma_start3A_125 = arith.constant 0 : i32
    %dma_start3A_126 = arith.constant 0 : i32
    %dma_start3A_127 = tpu.memref_slice %arg3[%dma_start3A_125, %dma_start3A_126] : memref<16384x128xf32, #tpu.memory_space<hbm>> -> memref<16384x128xf32, #tpu.memory_space<hbm>>
    tpu.enqueue_indirect_dma source(%dma_start3A_127 : memref<16384x128xf32, #tpu.memory_space<hbm>>) target(%dma_start3A_121 : memref<128x128xf32, #tpu.memory_space<vmem>>) offsets(%dma_start3A_124 : memref<128xi32, #tpu.memory_space<vmem>>) semaphore(%arg10 : memref<!tpu.dma_semaphore, #tpu.memory_space<semaphore_mem>>)
    %dma_wait3A_128 = arith.constant 1 : i32
    %dma_wait3A_129 = arith.constant 1 : i32
    %dma_wait3A_130 = arith.constant 0 : i32
    %dma_wait3A_131 = arith.constant 0 : i32
    %dma_wait3A_132 = tpu.memref_slice %arg9[%dma_wait3A_129, %dma_wait3A_130, %dma_wait3A_131] : memref<4x128x128xf32, #tpu.memory_space<vmem>> -> memref<1x128x128xf32, #tpu.memory_space<vmem>>
    %dma_wait3A_133 = tpu.memref_squeeze %dma_wait3A_132 : memref<1x128x128xf32, #tpu.memory_space<vmem>> -> memref<128x128xf32, #tpu.memory_space<vmem>>
    %dma_wait3A_134 = arith.constant 0 : i32
    %dma_wait3A_135 = tpu.memref_slice %arg8[%dma_wait3A_128, %dma_wait3A_134] : memref<4x128xi32, #tpu.memory_space<vmem>> -> memref<1x128xi32, #tpu.memory_space<vmem>>
    %dma_wait3A_136 = tpu.memref_squeeze %dma_wait3A_135 : memref<1x128xi32, #tpu.memory_space<vmem>> -> memref<128xi32, #tpu.memory_space<vmem>>
    %dma_wait3A_137 = arith.constant 0 : i32
    %dma_wait3A_138 = arith.constant 0 : i32
    %dma_wait3A_139 = tpu.memref_slice %arg3[%dma_wait3A_137, %dma_wait3A_138] : memref<16384x128xf32, #tpu.memory_space<hbm>> -> memref<16384x128xf32, #tpu.memory_space<hbm>>
    tpu.wait_indirect_dma semaphore(%arg10 : memref<!tpu.dma_semaphore, #tpu.memory_space<semaphore_mem>>) src(%dma_wait3A_139 : memref<16384x128xf32, #tpu.memory_space<hbm>>) dst(%dma_wait3A_133 : memref<128x128xf32, #tpu.memory_space<vmem>>)
    %dma_start3A_140 = arith.constant 2 : i32
    %dma_start3A_141 = arith.constant 2 : i32
    %dma_start3A_142 = arith.constant 0 : i32
    %dma_start3A_143 = arith.constant 0 : i32
    %dma_start3A_144 = tpu.memref_slice %arg9[%dma_start3A_141, %dma_start3A_142, %dma_start3A_143] : memref<4x128x128xf32, #tpu.memory_space<vmem>> -> memref<1x128x128xf32, #tpu.memory_space<vmem>>
    %dma_start3A_145 = tpu.memref_squeeze %dma_start3A_144 : memref<1x128x128xf32, #tpu.memory_space<vmem>> -> memref<128x128xf32, #tpu.memory_space<vmem>>
    %dma_start3A_146 = arith.constant 0 : i32
    %dma_start3A_147 = tpu.memref_slice %arg8[%dma_start3A_140, %dma_start3A_146] : memref<4x128xi32, #tpu.memory_space<vmem>> -> memref<1x128xi32, #tpu.memory_space<vmem>>
    %dma_start3A_148 = tpu.memref_squeeze %dma_start3A_147 : memref<1x128xi32, #tpu.memory_space<vmem>> -> memref<128xi32, #tpu.memory_space<vmem>>
    %dma_start3A_149 = arith.constant 0 : i32
    %dma_start3A_150 = arith.constant 0 : i32
    %dma_start3A_151 = tpu.memref_slice %arg3[%dma_start3A_149, %dma_start3A_150] : memref<16384x128xf32, #tpu.memory_space<hbm>> -> memref<16384x128xf32, #tpu.memory_space<hbm>>
    tpu.enqueue_indirect_dma source(%dma_start3A_151 : memref<16384x128xf32, #tpu.memory_space<hbm>>) target(%dma_start3A_145 : memref<128x128xf32, #tpu.memory_space<vmem>>) offsets(%dma_start3A_148 : memref<128xi32, #tpu.memory_space<vmem>>) semaphore(%arg10 : memref<!tpu.dma_semaphore, #tpu.memory_space<semaphore_mem>>)
    %dma_wait3A_152 = arith.constant 2 : i32
    %dma_wait3A_153 = arith.constant 2 : i32
    %dma_wait3A_154 = arith.constant 0 : i32
    %dma_wait3A_155 = arith.constant 0 : i32
    %dma_wait3A_156 = tpu.memref_slice %arg9[%dma_wait3A_153, %dma_wait3A_154, %dma_wait3A_155] : memref<4x128x128xf32, #tpu.memory_space<vmem>> -> memref<1x128x128xf32, #tpu.memory_space<vmem>>
    %dma_wait3A_157 = tpu.memref_squeeze %dma_wait3A_156 : memref<1x128x128xf32, #tpu.memory_space<vmem>> -> memref<128x128xf32, #tpu.memory_space<vmem>>
    %dma_wait3A_158 = arith.constant 0 : i32
    %dma_wait3A_159 = tpu.memref_slice %arg8[%dma_wait3A_152, %dma_wait3A_158] : memref<4x128xi32, #tpu.memory_space<vmem>> -> memref<1x128xi32, #tpu.memory_space<vmem>>
    %dma_wait3A_160 = tpu.memref_squeeze %dma_wait3A_159 : memref<1x128xi32, #tpu.memory_space<vmem>> -> memref<128xi32, #tpu.memory_space<vmem>>
    %dma_wait3A_161 = arith.constant 0 : i32
    %dma_wait3A_162 = arith.constant 0 : i32
    %dma_wait3A_163 = tpu.memref_slice %arg3[%dma_wait3A_161, %dma_wait3A_162] : memref<16384x128xf32, #tpu.memory_space<hbm>> -> memref<16384x128xf32, #tpu.memory_space<hbm>>
    tpu.wait_indirect_dma semaphore(%arg10 : memref<!tpu.dma_semaphore, #tpu.memory_space<semaphore_mem>>) src(%dma_wait3A_163 : memref<16384x128xf32, #tpu.memory_space<hbm>>) dst(%dma_wait3A_157 : memref<128x128xf32, #tpu.memory_space<vmem>>)
    %dma_start3A_164 = arith.constant 3 : i32
    %dma_start3A_165 = arith.constant 3 : i32
    %dma_start3A_166 = arith.constant 0 : i32
    %dma_start3A_167 = arith.constant 0 : i32
    %dma_start3A_168 = tpu.memref_slice %arg9[%dma_start3A_165, %dma_start3A_166, %dma_start3A_167] : memref<4x128x128xf32, #tpu.memory_space<vmem>> -> memref<1x128x128xf32, #tpu.memory_space<vmem>>
    %dma_start3A_169 = tpu.memref_squeeze %dma_start3A_168 : memref<1x128x128xf32, #tpu.memory_space<vmem>> -> memref<128x128xf32, #tpu.memory_space<vmem>>
    %dma_start3A_170 = arith.constant 0 : i32
    %dma_start3A_171 = tpu.memref_slice %arg8[%dma_start3A_164, %dma_start3A_170] : memref<4x128xi32, #tpu.memory_space<vmem>> -> memref<1x128xi32, #tpu.memory_space<vmem>>
    %dma_start3A_172 = tpu.memref_squeeze %dma_start3A_171 : memref<1x128xi32, #tpu.memory_space<vmem>> -> memref<128xi32, #tpu.memory_space<vmem>>
    %dma_start3A_173 = arith.constant 0 : i32
    %dma_start3A_174 = arith.constant 0 : i32
    %dma_start3A_175 = tpu.memref_slice %arg3[%dma_start3A_173, %dma_start3A_174] : memref<16384x128xf32, #tpu.memory_space<hbm>> -> memref<16384x128xf32, #tpu.memory_space<hbm>>
    tpu.enqueue_indirect_dma source(%dma_start3A_175 : memref<16384x128xf32, #tpu.memory_space<hbm>>) target(%dma_start3A_169 : memref<128x128xf32, #tpu.memory_space<vmem>>) offsets(%dma_start3A_172 : memref<128xi32, #tpu.memory_space<vmem>>) semaphore(%arg10 : memref<!tpu.dma_semaphore, #tpu.memory_space<semaphore_mem>>)
    %dma_wait3A_176 = arith.constant 3 : i32
    %dma_wait3A_177 = arith.constant 3 : i32
    %dma_wait3A_178 = arith.constant 0 : i32
    %dma_wait3A_179 = arith.constant 0 : i32
    %dma_wait3A_180 = tpu.memref_slice %arg9[%dma_wait3A_177, %dma_wait3A_178, %dma_wait3A_179] : memref<4x128x128xf32, #tpu.memory_space<vmem>> -> memref<1x128x128xf32, #tpu.memory_space<vmem>>
    %dma_wait3A_181 = tpu.memref_squeeze %dma_wait3A_180 : memref<1x128x128xf32, #tpu.memory_space<vmem>> -> memref<128x128xf32, #tpu.memory_space<vmem>>
    %dma_wait3A_182 = arith.constant 0 : i32
    %dma_wait3A_183 = tpu.memref_slice %arg8[%dma_wait3A_176, %dma_wait3A_182] : memref<4x128xi32, #tpu.memory_space<vmem>> -> memref<1x128xi32, #tpu.memory_space<vmem>>
    %dma_wait3A_184 = tpu.memref_squeeze %dma_wait3A_183 : memref<1x128xi32, #tpu.memory_space<vmem>> -> memref<128xi32, #tpu.memory_space<vmem>>
    %dma_wait3A_185 = arith.constant 0 : i32
    %dma_wait3A_186 = arith.constant 0 : i32
    %dma_wait3A_187 = tpu.memref_slice %arg3[%dma_wait3A_185, %dma_wait3A_186] : memref<16384x128xf32, #tpu.memory_space<hbm>> -> memref<16384x128xf32, #tpu.memory_space<hbm>>
    tpu.wait_indirect_dma semaphore(%arg10 : memref<!tpu.dma_semaphore, #tpu.memory_space<semaphore_mem>>) src(%dma_wait3A_187 : memref<16384x128xf32, #tpu.memory_space<hbm>>) dst(%dma_wait3A_181 : memref<128x128xf32, #tpu.memory_space<vmem>>)
    %dma_start3A_188 = arith.constant 0 : i32
    %dma_start3A_189 = arith.constant 0 : i32
    %dma_start3A_190 = arith.constant 0 : i32
    %dma_start3A_191 = arith.constant 0 : i32
    %dma_start3A_192 = tpu.memref_slice %arg9[%dma_start3A_188, %dma_start3A_190, %dma_start3A_191] : memref<4x128x128xf32, #tpu.memory_space<vmem>> -> memref<1x128x128xf32, #tpu.memory_space<vmem>>
    %dma_start3A_193 = tpu.memref_squeeze %dma_start3A_192 : memref<1x128x128xf32, #tpu.memory_space<vmem>> -> memref<128x128xf32, #tpu.memory_space<vmem>>
    %dma_start3A_194 = arith.constant 0 : i32
    %dma_start3A_195 = tpu.memref_slice %arg7[%dma_start3A_189, %dma_start3A_194] : memref<4x128xi32, #tpu.memory_space<vmem>> -> memref<1x128xi32, #tpu.memory_space<vmem>>
    %dma_start3A_196 = tpu.memref_squeeze %dma_start3A_195 : memref<1x128xi32, #tpu.memory_space<vmem>> -> memref<128xi32, #tpu.memory_space<vmem>>
    %dma_start3A_197 = arith.constant 0 : i32
    %dma_start3A_198 = arith.constant 0 : i32
    %dma_start3A_199 = tpu.memref_slice %arg2[%dma_start3A_197, %dma_start3A_198] : memref<262144x128xf32, #tpu.memory_space<hbm>> -> memref<262144x128xf32, #tpu.memory_space<hbm>>
    tpu.enqueue_indirect_dma source(%dma_start3A_193 : memref<128x128xf32, #tpu.memory_space<vmem>>) target(%dma_start3A_199 : memref<262144x128xf32, #tpu.memory_space<hbm>>) offsets(%dma_start3A_196 : memref<128xi32, #tpu.memory_space<vmem>>) semaphore(%arg10 : memref<!tpu.dma_semaphore, #tpu.memory_space<semaphore_mem>>)
    %dma_wait3A_200 = arith.constant 0 : i32
    %dma_wait3A_201 = arith.constant 0 : i32
    %dma_wait3A_202 = arith.constant 0 : i32
    %dma_wait3A_203 = arith.constant 0 : i32
    %dma_wait3A_204 = tpu.memref_slice %arg9[%dma_wait3A_200, %dma_wait3A_202, %dma_wait3A_203] : memref<4x128x128xf32, #tpu.memory_space<vmem>> -> memref<1x128x128xf32, #tpu.memory_space<vmem>>
    %dma_wait3A_205 = tpu.memref_squeeze %dma_wait3A_204 : memref<1x128x128xf32, #tpu.memory_space<vmem>> -> memref<128x128xf32, #tpu.memory_space<vmem>>
    %dma_wait3A_206 = arith.constant 0 : i32
    %dma_wait3A_207 = tpu.memref_slice %arg7[%dma_wait3A_201, %dma_wait3A_206] : memref<4x128xi32, #tpu.memory_space<vmem>> -> memref<1x128xi32, #tpu.memory_space<vmem>>
    %dma_wait3A_208 = tpu.memref_squeeze %dma_wait3A_207 : memref<1x128xi32, #tpu.memory_space<vmem>> -> memref<128xi32, #tpu.memory_space<vmem>>
    %dma_wait3A_209 = arith.constant 0 : i32
    %dma_wait3A_210 = arith.constant 0 : i32
    %dma_wait3A_211 = tpu.memref_slice %arg2[%dma_wait3A_209, %dma_wait3A_210] : memref<262144x128xf32, #tpu.memory_space<hbm>> -> memref<262144x128xf32, #tpu.memory_space<hbm>>
    tpu.wait_indirect_dma semaphore(%arg10 : memref<!tpu.dma_semaphore, #tpu.memory_space<semaphore_mem>>) src(%dma_wait3A_205 : memref<128x128xf32, #tpu.memory_space<vmem>>) dst(%dma_wait3A_211 : memref<262144x128xf32, #tpu.memory_space<hbm>>)
    %dma_start3A_212 = arith.constant 1 : i32
    %dma_start3A_213 = arith.constant 1 : i32
    %dma_start3A_214 = arith.constant 0 : i32
    %dma_start3A_215 = arith.constant 0 : i32
    %dma_start3A_216 = tpu.memref_slice %arg9[%dma_start3A_212, %dma_start3A_214, %dma_start3A_215] : memref<4x128x128xf32, #tpu.memory_space<vmem>> -> memref<1x128x128xf32, #tpu.memory_space<vmem>>
    %dma_start3A_217 = tpu.memref_squeeze %dma_start3A_216 : memref<1x128x128xf32, #tpu.memory_space<vmem>> -> memref<128x128xf32, #tpu.memory_space<vmem>>
    %dma_start3A_218 = arith.constant 0 : i32
    %dma_start3A_219 = tpu.memref_slice %arg7[%dma_start3A_213, %dma_start3A_218] : memref<4x128xi32, #tpu.memory_space<vmem>> -> memref<1x128xi32, #tpu.memory_space<vmem>>
    %dma_start3A_220 = tpu.memref_squeeze %dma_start3A_219 : memref<1x128xi32, #tpu.memory_space<vmem>> -> memref<128xi32, #tpu.memory_space<vmem>>
    %dma_start3A_221 = arith.constant 0 : i32
    %dma_start3A_222 = arith.constant 0 : i32
    %dma_start3A_223 = tpu.memref_slice %arg2[%dma_start3A_221, %dma_start3A_222] : memref<262144x128xf32, #tpu.memory_space<hbm>> -> memref<262144x128xf32, #tpu.memory_space<hbm>>
    tpu.enqueue_indirect_dma source(%dma_start3A_217 : memref<128x128xf32, #tpu.memory_space<vmem>>) target(%dma_start3A_223 : memref<262144x128xf32, #tpu.memory_space<hbm>>) offsets(%dma_start3A_220 : memref<128xi32, #tpu.memory_space<vmem>>) semaphore(%arg10 : memref<!tpu.dma_semaphore, #tpu.memory_space<semaphore_mem>>)
    %dma_wait3A_224 = arith.constant 1 : i32
    %dma_wait3A_225 = arith.constant 1 : i32
    %dma_wait3A_226 = arith.constant 0 : i32
    %dma_wait3A_227 = arith.constant 0 : i32
    %dma_wait3A_228 = tpu.memref_slice %arg9[%dma_wait3A_224, %dma_wait3A_226, %dma_wait3A_227] : memref<4x128x128xf32, #tpu.memory_space<vmem>> -> memref<1x128x128xf32, #tpu.memory_space<vmem>>
    %dma_wait3A_229 = tpu.memref_squeeze %dma_wait3A_228 : memref<1x128x128xf32, #tpu.memory_space<vmem>> -> memref<128x128xf32, #tpu.memory_space<vmem>>
    %dma_wait3A_230 = arith.constant 0 : i32
    %dma_wait3A_231 = tpu.memref_slice %arg7[%dma_wait3A_225, %dma_wait3A_230] : memref<4x128xi32, #tpu.memory_space<vmem>> -> memref<1x128xi32, #tpu.memory_space<vmem>>
    %dma_wait3A_232 = tpu.memref_squeeze %dma_wait3A_231 : memref<1x128xi32, #tpu.memory_space<vmem>> -> memref<128xi32, #tpu.memory_space<vmem>>
    %dma_wait3A_233 = arith.constant 0 : i32
    %dma_wait3A_234 = arith.constant 0 : i32
    %dma_wait3A_235 = tpu.memref_slice %arg2[%dma_wait3A_233, %dma_wait3A_234] : memref<262144x128xf32, #tpu.memory_space<hbm>> -> memref<262144x128xf32, #tpu.memory_space<hbm>>
    tpu.wait_indirect_dma semaphore(%arg10 : memref<!tpu.dma_semaphore, #tpu.memory_space<semaphore_mem>>) src(%dma_wait3A_229 : memref<128x128xf32, #tpu.memory_space<vmem>>) dst(%dma_wait3A_235 : memref<262144x128xf32, #tpu.memory_space<hbm>>)
    %dma_start3A_236 = arith.constant 2 : i32
    %dma_start3A_237 = arith.constant 2 : i32
    %dma_start3A_238 = arith.constant 0 : i32
    %dma_start3A_239 = arith.constant 0 : i32
    %dma_start3A_240 = tpu.memref_slice %arg9[%dma_start3A_236, %dma_start3A_238, %dma_start3A_239] : memref<4x128x128xf32, #tpu.memory_space<vmem>> -> memref<1x128x128xf32, #tpu.memory_space<vmem>>
    %dma_start3A_241 = tpu.memref_squeeze %dma_start3A_240 : memref<1x128x128xf32, #tpu.memory_space<vmem>> -> memref<128x128xf32, #tpu.memory_space<vmem>>
    %dma_start3A_242 = arith.constant 0 : i32
    %dma_start3A_243 = tpu.memref_slice %arg7[%dma_start3A_237, %dma_start3A_242] : memref<4x128xi32, #tpu.memory_space<vmem>> -> memref<1x128xi32, #tpu.memory_space<vmem>>
    %dma_start3A_244 = tpu.memref_squeeze %dma_start3A_243 : memref<1x128xi32, #tpu.memory_space<vmem>> -> memref<128xi32, #tpu.memory_space<vmem>>
    %dma_start3A_245 = arith.constant 0 : i32
    %dma_start3A_246 = arith.constant 0 : i32
    %dma_start3A_247 = tpu.memref_slice %arg2[%dma_start3A_245, %dma_start3A_246] : memref<262144x128xf32, #tpu.memory_space<hbm>> -> memref<262144x128xf32, #tpu.memory_space<hbm>>
    tpu.enqueue_indirect_dma source(%dma_start3A_241 : memref<128x128xf32, #tpu.memory_space<vmem>>) target(%dma_start3A_247 : memref<262144x128xf32, #tpu.memory_space<hbm>>) offsets(%dma_start3A_244 : memref<128xi32, #tpu.memory_space<vmem>>) semaphore(%arg10 : memref<!tpu.dma_semaphore, #tpu.memory_space<semaphore_mem>>)
    %dma_wait3A_248 = arith.constant 2 : i32
    %dma_wait3A_249 = arith.constant 2 : i32
    %dma_wait3A_250 = arith.constant 0 : i32
    %dma_wait3A_251 = arith.constant 0 : i32
    %dma_wait3A_252 = tpu.memref_slice %arg9[%dma_wait3A_248, %dma_wait3A_250, %dma_wait3A_251] : memref<4x128x128xf32, #tpu.memory_space<vmem>> -> memref<1x128x128xf32, #tpu.memory_space<vmem>>
    %dma_wait3A_253 = tpu.memref_squeeze %dma_wait3A_252 : memref<1x128x128xf32, #tpu.memory_space<vmem>> -> memref<128x128xf32, #tpu.memory_space<vmem>>
    %dma_wait3A_254 = arith.constant 0 : i32
    %dma_wait3A_255 = tpu.memref_slice %arg7[%dma_wait3A_249, %dma_wait3A_254] : memref<4x128xi32, #tpu.memory_space<vmem>> -> memref<1x128xi32, #tpu.memory_space<vmem>>
    %dma_wait3A_256 = tpu.memref_squeeze %dma_wait3A_255 : memref<1x128xi32, #tpu.memory_space<vmem>> -> memref<128xi32, #tpu.memory_space<vmem>>
    %dma_wait3A_257 = arith.constant 0 : i32
    %dma_wait3A_258 = arith.constant 0 : i32
    %dma_wait3A_259 = tpu.memref_slice %arg2[%dma_wait3A_257, %dma_wait3A_258] : memref<262144x128xf32, #tpu.memory_space<hbm>> -> memref<262144x128xf32, #tpu.memory_space<hbm>>
    tpu.wait_indirect_dma semaphore(%arg10 : memref<!tpu.dma_semaphore, #tpu.memory_space<semaphore_mem>>) src(%dma_wait3A_253 : memref<128x128xf32, #tpu.memory_space<vmem>>) dst(%dma_wait3A_259 : memref<262144x128xf32, #tpu.memory_space<hbm>>)
    %dma_start3A_260 = arith.constant 3 : i32
    %dma_start3A_261 = arith.constant 3 : i32
    %dma_start3A_262 = arith.constant 0 : i32
    %dma_start3A_263 = arith.constant 0 : i32
    %dma_start3A_264 = tpu.memref_slice %arg9[%dma_start3A_260, %dma_start3A_262, %dma_start3A_263] : memref<4x128x128xf32, #tpu.memory_space<vmem>> -> memref<1x128x128xf32, #tpu.memory_space<vmem>>
    %dma_start3A_265 = tpu.memref_squeeze %dma_start3A_264 : memref<1x128x128xf32, #tpu.memory_space<vmem>> -> memref<128x128xf32, #tpu.memory_space<vmem>>
    %dma_start3A_266 = arith.constant 0 : i32
    %dma_start3A_267 = tpu.memref_slice %arg7[%dma_start3A_261, %dma_start3A_266] : memref<4x128xi32, #tpu.memory_space<vmem>> -> memref<1x128xi32, #tpu.memory_space<vmem>>
    %dma_start3A_268 = tpu.memref_squeeze %dma_start3A_267 : memref<1x128xi32, #tpu.memory_space<vmem>> -> memref<128xi32, #tpu.memory_space<vmem>>
    %dma_start3A_269 = arith.constant 0 : i32
    %dma_start3A_270 = arith.constant 0 : i32
    %dma_start3A_271 = tpu.memref_slice %arg2[%dma_start3A_269, %dma_start3A_270] : memref<262144x128xf32, #tpu.memory_space<hbm>> -> memref<262144x128xf32, #tpu.memory_space<hbm>>
    tpu.enqueue_indirect_dma source(%dma_start3A_265 : memref<128x128xf32, #tpu.memory_space<vmem>>) target(%dma_start3A_271 : memref<262144x128xf32, #tpu.memory_space<hbm>>) offsets(%dma_start3A_268 : memref<128xi32, #tpu.memory_space<vmem>>) semaphore(%arg10 : memref<!tpu.dma_semaphore, #tpu.memory_space<semaphore_mem>>)
    %dma_wait3A_272 = arith.constant 3 : i32
    %dma_wait3A_273 = arith.constant 3 : i32
    %dma_wait3A_274 = arith.constant 0 : i32
    %dma_wait3A_275 = arith.constant 0 : i32
    %dma_wait3A_276 = tpu.memref_slice %arg9[%dma_wait3A_272, %dma_wait3A_274, %dma_wait3A_275] : memref<4x128x128xf32, #tpu.memory_space<vmem>> -> memref<1x128x128xf32, #tpu.memory_space<vmem>>
    %dma_wait3A_277 = tpu.memref_squeeze %dma_wait3A_276 : memref<1x128x128xf32, #tpu.memory_space<vmem>> -> memref<128x128xf32, #tpu.memory_space<vmem>>
    %dma_wait3A_278 = arith.constant 0 : i32
    %dma_wait3A_279 = tpu.memref_slice %arg7[%dma_wait3A_273, %dma_wait3A_278] : memref<4x128xi32, #tpu.memory_space<vmem>> -> memref<1x128xi32, #tpu.memory_space<vmem>>
    %dma_wait3A_280 = tpu.memref_squeeze %dma_wait3A_279 : memref<1x128xi32, #tpu.memory_space<vmem>> -> memref<128xi32, #tpu.memory_space<vmem>>
    %dma_wait3A_281 = arith.constant 0 : i32
    %dma_wait3A_282 = arith.constant 0 : i32
    %dma_wait3A_283 = tpu.memref_slice %arg2[%dma_wait3A_281, %dma_wait3A_282] : memref<262144x128xf32, #tpu.memory_space<hbm>> -> memref<262144x128xf32, #tpu.memory_space<hbm>>
    tpu.wait_indirect_dma semaphore(%arg10 : memref<!tpu.dma_semaphore, #tpu.memory_space<semaphore_mem>>) src(%dma_wait3A_277 : memref<128x128xf32, #tpu.memory_space<vmem>>) dst(%dma_wait3A_283 : memref<262144x128xf32, #tpu.memory_space<hbm>>)
    return
  }
}

#map = affine_map<(d0, d1) -> (0)>
module attributes {stable_mosaic.version = 14 : i64} {
  func.func @_dedup_body(%arg0: i32, %arg1: i32, %arg2: memref<16384xi32, #tpu.memory_space<hbm>>, %arg3: memref<262144xi32, #tpu.memory_space<hbm>>, %arg4: memref<16384xi32, #tpu.memory_space<vmem>>, %arg5: memref<8192xi32, #tpu.memory_space<vmem>>) attributes {dimension_semantics = [#tpu.dimension_semantics<core_parallel>, #tpu.dimension_semantics<subcore_parallel>], iteration_bounds = array<i64: 2, 16>, scalar_prefetch = 0 : i64, scratch_operands = 2 : i64, tpu.core_type = #tpu.core_type<sc_vector_subcore>, window_params = [{transform_indices = #map}, {transform_indices = #map}]} {
    %mul3A = arith.constant 2 : i32
    %mul3A_0 = arith.muli %arg1, %mul3A : i32
    %add3A = arith.addi %mul3A_0, %arg0 : i32
    %mul3A_1 = arith.constant 8192 : i32
    %mul3A_2 = arith.muli %add3A, %mul3A_1 : i32
    "tpu.region"() ({
      %run_scoped3A = tpu.sem_alloc : memref<!tpu.dma_semaphore, #tpu.memory_space<semaphore_mem>>
      tpu.enqueue_dma source(%arg2 : memref<16384xi32, #tpu.memory_space<hbm>>) target(%arg4 : memref<16384xi32, #tpu.memory_space<vmem>>) target_semaphore(%run_scoped3A : memref<!tpu.dma_semaphore, #tpu.memory_space<semaphore_mem>>)
      tpu.wait_dma2 semaphore(%run_scoped3A : memref<!tpu.dma_semaphore, #tpu.memory_space<semaphore_mem>>) src(%arg2 : memref<16384xi32, #tpu.memory_space<hbm>>) dst(%arg4 : memref<16384xi32, #tpu.memory_space<vmem>>)
      tpu.yield
    }) : () -> ()
    %iota3A = tpu.iota {dimensions = array<i32: 0>} : vector<16xi32>
    %add3A_3 = arith.constant 1 : i32
    %add3A_4 = vector.broadcast %add3A_3 : i32 to vector<16xi32>
    %add3A_5 = arith.addi %iota3A, %add3A_4 : vector<16xi32>
    %min3A = arith.constant 15 : i32
    %min3A_6 = vector.broadcast %min3A : i32 to vector<16xi32>
    %min3A_7 = arith.minsi %add3A_5, %min3A_6 : vector<16xi32>
    %eq3A = arith.constant 15 : i32
    %eq3A_8 = vector.broadcast %eq3A : i32 to vector<16xi32>
    %eq3A_9 = arith.cmpi eq, %iota3A, %eq3A_8 : vector<16xi32>
    %scan3A = arith.constant 0 : i32
    %scan3A_10 = arith.constant 0 : i32
    %scan3A_11 = arith.constant 1024 : i32
    %scan3A_12 = arith.addi %scan3A_10, %scan3A_11 : i32
    %scan3A_13 = arith.constant 1 : i32
    %scan3A_14 = scf.for %scan3A_16 = %scan3A_10 to %scan3A_12 step %scan3A_13 iter_args(%scan3A_17 = %scan3A) -> (i32)  : i32 {
      %mul3A_18 = arith.constant 16 : i32
      %mul3A_19 = arith.muli %scan3A_16, %mul3A_18 : i32
      %get3A = arith.index_cast %mul3A_19 : i32 to index
      %get3A_20 = tpu.vector_load %arg4[%get3A] {strides = array<i32>} : memref<16384xi32, #tpu.memory_space<vmem>>, vector<16xi32>,
      %mul3A_21 = arith.constant 16 : i32
      %mul3A_22 = arith.muli %scan3A_16, %mul3A_21 : i32
      %add3A_23 = vector.broadcast %mul3A_22 : i32 to vector<16xi32>
      %add3A_24 = arith.addi %add3A_23, %iota3A : vector<16xi32>
      %shift_left3A = arith.constant 14 : i32
      %shift_left3A_25 = vector.broadcast %shift_left3A : i32 to vector<16xi32>
      %shift_left3A_26 = arith.shli %get3A_20, %shift_left3A_25 : vector<16xi32>
      %or3A = arith.ori %shift_left3A_26, %add3A_24 : vector<16xi32>
      %masked_sort3A = arith.constant dense<true> : vector<16xi1>
      %masked_sort3A_27 = arith.constant -2147483648 : i32
      %masked_sort3A_28 = vector.broadcast %masked_sort3A_27 : i32 to vector<16xi32>
      %masked_sort3A_29 = arith.xori %or3A, %masked_sort3A_28 : vector<16xi32>
      %masked_sort3A_30, %masked_sort3A_31, %masked_sort3A_32 = tpu.sort %masked_sort3A_29, %or3A masked %masked_sort3A : (vector<16xi32>, vector<16xi32>, vector<16xi1>) -> (vector<16xi1>, vector<16xi32>, vector<16xi32>)
      %masked_sort3A_33 = arith.xori %masked_sort3A_31, %masked_sort3A_28 : vector<16xi32>
      %shift_right_logical3A = arith.constant 14 : i32
      %shift_right_logical3A_34 = vector.broadcast %shift_right_logical3A : i32 to vector<16xi32>
      %shift_right_logical3A_35 = arith.shrui %masked_sort3A_33, %shift_right_logical3A_34 : vector<16xi32>
      %and3A = arith.constant 16383 : i32
      %and3A_36 = vector.broadcast %and3A : i32 to vector<16xi32>
      %and3A_37 = arith.andi %masked_sort3A_33, %and3A_36 : vector<16xi32>
      %broadcast_in_dim3A = vector.shape_cast %min3A_7 : vector<16xi32> to vector<16x1xi32>
      %gather3A = vector.shape_cast %broadcast_in_dim3A : vector<16x1xi32> to vector<16xi32>
      %gather3A_38 = tpu.dynamic_gather %shift_right_logical3A_35[%gather3A] in [0] : vector<16xi32>, vector<16xi32> -> vector<16xi32>
      %ne3A = arith.cmpi ne, %shift_right_logical3A_35, %gather3A_38 : vector<16xi32>
      %or3A_39 = arith.ori %ne3A, %eq3A_9 : vector<16xi1>
      %ge3A = vector.broadcast %mul3A_2 : i32 to vector<16xi32>
      %ge3A_40 = arith.cmpi sge, %shift_right_logical3A_35, %ge3A : vector<16xi32>
      %add3A_41 = arith.constant 8192 : i32
      %add3A_42 = arith.addi %mul3A_2, %add3A_41 : i32
      %lt3A = vector.broadcast %add3A_42 : i32 to vector<16xi32>
      %lt3A_43 = arith.cmpi slt, %shift_right_logical3A_35, %lt3A : vector<16xi32>
      %and3A_44 = arith.andi %ge3A_40, %lt3A_43 : vector<16xi1>
      %and3A_45 = arith.andi %or3A_39, %and3A_44 : vector<16xi1>
      %sub3A = vector.broadcast %mul3A_2 : i32 to vector<16xi32>
      %sub3A_46 = arith.subi %shift_right_logical3A_35, %sub3A : vector<16xi32>
      %jit3A = arith.constant 0 : i32
      %broadcast_in_dim3A_47 = vector.broadcast %jit3A : i32 to vector<16xi32>
      %select_n3A = arith.select %and3A_45, %sub3A_46, %broadcast_in_dim3A_47 : vector<16xi1>, vector<16xi32>
      tpu.vector_store_idx %arg5[%select_n3A], %and3A_37 masked %and3A_45 : memref<8192xi32, #tpu.memory_space<vmem>>[vector<16xi32>], vector<16xi32>, vector<16xi1>
      %scan3A_48 = arith.constant 0 : i32
      scf.yield %scan3A_48 : i32
    }
    %scan3A_15 = arith.constant 1024 : i32
    "tpu.region"() ({
      %run_scoped3A = tpu.sem_alloc : memref<!tpu.dma_semaphore, #tpu.memory_space<semaphore_mem>>
      %dma_start3A = tpu.memref_slice %arg3[%mul3A_2] : memref<262144xi32, #tpu.memory_space<hbm>> -> memref<8192xi32, #tpu.memory_space<hbm>>
      %dma_start3A_16 = tpu.memref_slice %arg3[%mul3A_2] : memref<262144xi32, #tpu.memory_space<hbm>> -> memref<8192xi32, #tpu.memory_space<hbm>>
      tpu.enqueue_dma source(%arg5 : memref<8192xi32, #tpu.memory_space<vmem>>) target(%dma_start3A_16 : memref<8192xi32, #tpu.memory_space<hbm>>) target_semaphore(%run_scoped3A : memref<!tpu.dma_semaphore, #tpu.memory_space<semaphore_mem>>)
      %dma_wait3A = tpu.memref_slice %arg3[%mul3A_2] : memref<262144xi32, #tpu.memory_space<hbm>> -> memref<8192xi32, #tpu.memory_space<hbm>>
      %dma_wait3A_17 = tpu.memref_slice %arg3[%mul3A_2] : memref<262144xi32, #tpu.memory_space<hbm>> -> memref<8192xi32, #tpu.memory_space<hbm>>
      tpu.wait_dma2 semaphore(%run_scoped3A : memref<!tpu.dma_semaphore, #tpu.memory_space<semaphore_mem>>) src(%arg5 : memref<8192xi32, #tpu.memory_space<vmem>>) dst(%dma_wait3A_17 : memref<8192xi32, #tpu.memory_space<hbm>>)
      tpu.yield
    }) : () -> ()
    return
  }
}

module attributes {stable_mosaic.version = 14 : i64} {
  func.func @_widen_body(%arg0: i32, %arg1: memref<4096x64xf32, #tpu.memory_space<vmem>>, %arg2: memref<4096x128xf32, #tpu.memory_space<vmem>>) attributes {dimension_semantics = [#tpu.dimension_semantics<arbitrary>], iteration_bounds = array<i64: 4>, scalar_prefetch = 0 : i64, scratch_operands = 0 : i64, tpu.core_type = #tpu.core_type<tc>, window_params = [{transform_indices = @transform_0, window_bounds = array<i64: 4096, 64>}, {transform_indices = @transform_1, window_bounds = array<i64: 4096, 128>}]} {
    %get3A = arith.constant 0 : index
    %get3A_0 = arith.constant 0 : index
    %get3A_1 = vector.load %arg1[%get3A, %get3A_0] : memref<4096x64xf32, #tpu.memory_space<vmem>>, vector<4096x64xf32>
    %broadcast_in_dim3A = arith.constant 0.000000e+00 : f32
    %broadcast_in_dim3A_2 = vector.broadcast %broadcast_in_dim3A : f32 to vector<4096x64xf32>
    %concatenate3A = tpu.concatenate %get3A_1, %broadcast_in_dim3A_2 in 1 : vector<4096x64xf32>, vector<4096x64xf32> -> vector<4096x128xf32>
    %swap3A = arith.constant 0 : index
    %swap3A_3 = arith.constant 0 : index
    %swap3A_4 = vector.load %arg2[%swap3A, %swap3A_3] : memref<4096x128xf32, #tpu.memory_space<vmem>>, vector<4096x128xf32>
    tpu.vector_store %arg2[%swap3A, %swap3A_3], %concatenate3A {strides = array<i32>} : memref<4096x128xf32, #tpu.memory_space<vmem>>, vector<4096x128xf32>,
    return
  }
  func.func @transform_0(%arg0: i32) -> (i32, i32) {
    %c0_i32 = arith.constant 0 : i32
    %c0_i32_0 = arith.constant 0 : i32
    return %arg0, %c0_i32 : i32, i32
  }
  func.func @transform_1(%arg0: i32) -> (i32, i32) {
    %c0_i32 = arith.constant 0 : i32
    %c0_i32_0 = arith.constant 0 : i32
    return %arg0, %c0_i32 : i32, i32
  }
}

module attributes {stable_mosaic.version = 14 : i64} {
  func.func @_widen_body(%arg0: i32, %arg1: memref<8192x64xf32, #tpu.memory_space<vmem>>, %arg2: memref<8192x128xf32, #tpu.memory_space<vmem>>) attributes {dimension_semantics = [#tpu.dimension_semantics<arbitrary>], iteration_bounds = array<i64: 32>, scalar_prefetch = 0 : i64, scratch_operands = 0 : i64, tpu.core_type = #tpu.core_type<tc>, window_params = [{transform_indices = @transform_0, window_bounds = array<i64: 8192, 64>}, {transform_indices = @transform_1, window_bounds = array<i64: 8192, 128>}]} {
    %get3A = arith.constant 0 : index
    %get3A_0 = arith.constant 0 : index
    %get3A_1 = vector.load %arg1[%get3A, %get3A_0] : memref<8192x64xf32, #tpu.memory_space<vmem>>, vector<8192x64xf32>
    %broadcast_in_dim3A = arith.constant 0.000000e+00 : f32
    %broadcast_in_dim3A_2 = vector.broadcast %broadcast_in_dim3A : f32 to vector<8192x64xf32>
    %concatenate3A = tpu.concatenate %get3A_1, %broadcast_in_dim3A_2 in 1 : vector<8192x64xf32>, vector<8192x64xf32> -> vector<8192x128xf32>
    %swap3A = arith.constant 0 : index
    %swap3A_3 = arith.constant 0 : index
    %swap3A_4 = vector.load %arg2[%swap3A, %swap3A_3] : memref<8192x128xf32, #tpu.memory_space<vmem>>, vector<8192x128xf32>
    tpu.vector_store %arg2[%swap3A, %swap3A_3], %concatenate3A {strides = array<i32>} : memref<8192x128xf32, #tpu.memory_space<vmem>>, vector<8192x128xf32>,
    return
  }
  func.func @transform_0(%arg0: i32) -> (i32, i32) {
    %c0_i32 = arith.constant 0 : i32
    %c0_i32_0 = arith.constant 0 : i32
    return %arg0, %c0_i32 : i32, i32
  }
  func.func @transform_1(%arg0: i32) -> (i32, i32) {
    %c0_i32 = arith.constant 0 : i32
    %c0_i32_0 = arith.constant 0 : i32
    return %arg0, %c0_i32 : i32, i32
  }
}

</mosaic_0001>

<sc_bundles>
// kernel: kernel.6.cloned.1.call-start
scs
__scs_entry_jumppad:
0x0: {  	(pc) =	sbr.rel $0x88, $3  }
0x1: {  	(tag) =	ssettag $0x0;
	lr =	simm.s32 $0x1  }
0x2: {  	[smem:$0x3F9E] =	sst lr;
	_ =	strace $0xD0000000  }
0x3: {  	_ = 	snop  }
0x4: {  	_ = 	snop  }
0x5: {  	_ = 	snop  }
0x6: {  	_ = 	snop  }
0x7: {  	_ = 	snop  }
__scs_overlays_trampoline_lowered:
0x8: {  	[smem:$0x3FAD] =	sst s0  }
0x9: {  	[smem:$0x3FAE] =	sst s1  }
0xa: {  	[smem:$0x3FAF] =	sst s2  }
0xb: {  	[smem:$0x3FB0] =	sst s3  }
0xc: {  	[smem:$0x3FB1] =	sst s4  }
0xd: {  	[smem:$0x3FB2] =	sst s5  }
0xe: {  	[smem:$0x3FB3] =	sst s6  }
0xf: {  	[smem:$0x3FB4] =	sst s7  }
0x10: {  	[smem:$0x3FB5] =	sst s8  }
0x11: {  	[smem:$0x3FB6] =	sst s9;
	s0 =	simm.s32 @!p0 $0x0  }
0x12: {  	s1 =	sld [smem:$0x3F9C];
	s0 =	simm.s32 @p0 $0x1  }
0x13: {  	[smem:$0x3FB7] =	sst s0;
	s0 =	simm.s32 @!p1 $0x0  }
0x14: {  	s2 =	sld [smem:$0x3F9B];
	s0 =	simm.s32 @p1 $0x1  }
0x15: {  	[smem:$0x3FB8] =	sst s0;
	s0 =	simm.s32 @!p2 $0x0  }
0x16: {  	s3 =	sld [smem:$0x3FDB];
	s0 =	simm.s32 @p2 $0x1  }
0x17: {  	s4 =	simm.s32 $0x1BF5;
	[smem:$0x3FBA] =	sst s0  }
0x18: {  	s0 =	sld [smem:$0x3F9D];
	_ =	swait.ge [sflag:s4], $0x0  }
0x19: {  	s7 =	sld [smem:$0x3F9E]  }
0x1a: {  	s8 =	sadd.s32 $0xFFFFE003, lr  }
0x1b: {  	s9 =	sadd.s32 $0xFFFFFEF7, lr;
	s5 =	simm.s32 $0xFFFFFFFF;
	p2 =	slt.u32 s8, $0xFFFFF086  }
0x1c: {  	p1 =	slt.u32 s9, $0xF7A;
	s5 =	simm.s32 @!p2 $0x0  }
0x1d: {  	s5 =	simm.s32 @p1 $0x1;
	p0 =	seq.s32 s7, s2  }
0x1e: {  	s7 =	smul.u32 @!p0 $0xF7A, s2;
	p2 =	seq.s32 @!p0 s5, $0x0  }
0x1f: {  	s9 =	smul.u32 $0xF7A, s1;
	s8 =	simm.s32 @!p0 $0x1BF5;
	p2 =	por !p2, p0  }
0x20: {  	[sflag:s8] =	ssyncset.s32 @!p0 $0xFFFFF086;
	s6 =	sadd.s32 @!p0 s3, s7;
	s7 =	simm.s32 @!p0 $0x108  }
0x21: {  	s3 =	sadd.s32 s3, s9;
	s6 =	sadd.s32 @!p0 $0x88, s6;
	s7 =	simm.s32 @p2 $0x1082  }
0x22: {  	[simem:s7], [sflag:s8] =	dma.local @!p0 [hbm:s6], $0xF7A  }
0x23: {  	s9 =	sor.u32 $0xD0000000, s2;
	s6 =	simm.s32 $0x108;
	_ =	swait.ge @!p0 [sflag:s8], $0x0  }
0x24: {  	s3 =	sadd.s32 $0x88, s3;
	s6 =	simm.s32 @!p1 $0x1082;
	[sflag:s4] =	ssyncset.s32 $0xFFFFF086  }
0x25: {  	[simem:s6], [sflag:s4] =	dma.local [hbm:s3], $0xF7A  }
0x26: {  	[smem:$0x3F9E] =	sst s1;
	(tag) =	ssettag s2;
	_ =	strace s9  }
0x27: {  	s1 =	sld [smem:$0x3FAE]  }
0x28: {  	s2 =	sld [smem:$0x3FAF]  }
0x29: {  	s4 =	sld [smem:$0x3FB1]  }
0x2a: {  	p0 =	seq.s32 s5, $0x0;
	s5 =	sld [smem:$0x3FB2]  }
0x2b: {  	s6 =	sld [smem:$0x3FB3]  }
0x2c: {  	s7 =	sld [smem:$0x3FB4]  }
0x2d: {  	s3 =	simm.s32 $0x108;
	s8 =	sld [smem:$0x3FB5]  }
0x2e: {  	s3 =	simm.s32 @!p0 $0x1082;
	s9 =	sld [smem:$0x3FB6]  }
0x2f: {  	lr =	sadd.s32 s0, s3;
	s0 =	sld [smem:$0x3FAD]  }
0x30: {  	s3 =	sld [smem:$0x3FB0]  }
0x31: {  	[smem:$0x3FB9] =	sst s10  }
0x32: {  	s10 =	sld [smem:$0x3FB7];
	_ =	sdelay $0x3  }
0x33: {  	p0 =	seq.s32 s10, $0x1;
	s10 =	sld [smem:$0x3FB9];
	_ =	sdelay $0x3  }
0x34: {  	[smem:$0x3FB9] =	sst s10  }
0x35: {  	s10 =	sld [smem:$0x3FB8];
	_ =	sdelay $0x3  }
0x36: {  	p1 =	seq.s32 s10, $0x1;
	s10 =	sld [smem:$0x3FB9];
	_ =	sdelay $0x3  }
0x37: {  	[smem:$0x3FB9] =	sst s10  }
0x38: {  	s10 =	sld [smem:$0x3FBA]  }
0x39: {  	_ = 	snop;
	(pc) =	sbr.ind lr, $3  }
0x3a: {  	_ = 	snop  }
0x3b: {  	_ = 	snop  }
0x3c: {  	p2 =	seq.s32 s10, $0x1;
	s10 =	sld [smem:$0x3FB9]  }
0x3d: {  	_ =	shalt  }
0x3e: {  	_ =	shalt  }
0x3f: {  	_ =	shalt  }
0x40: {  	_ =	shalt  }
0x41: {  	_ =	shalt  }
0x42: {  	_ =	shalt  }
0x43: {  	_ =	shalt  }
0x44: {  	_ =	shalt  }
0x45: {  	_ =	shalt  }
0x46: {  	_ =	shalt  }
0x47: {  	_ =	shalt  }
0x48: {  	_ =	shalt  }
0x49: {  	_ =	shalt  }
0x4a: {  	_ =	shalt  }
0x4b: {  	_ =	shalt  }
0x4c: {  	_ =	shalt  }
0x4d: {  	_ =	shalt  }
0x4e: {  	_ =	shalt  }
0x4f: {  	_ =	shalt  }
0x50: {  	_ =	shalt  }
0x51: {  	_ =	shalt  }
0x52: {  	_ =	shalt  }
0x53: {  	_ =	shalt  }
0x54: {  	_ =	shalt  }
0x55: {  	_ =	shalt  }
0x56: {  	_ =	shalt  }
0x57: {  	_ =	shalt  }
0x58: {  	_ =	shalt  }
0x59: {  	_ =	shalt  }
0x5a: {  	_ =	shalt  }
0x5b: {  	_ =	shalt  }
0x5c: {  	_ =	shalt  }
0x5d: {  	_ =	shalt  }
0x5e: {  	_ =	shalt  }
0x5f: {  	_ =	shalt  }
0x60: {  	_ =	shalt  }
0x61: {  	_ =	shalt  }
0x62: {  	_ =	shalt  }
0x63: {  	_ =	shalt  }
0x64: {  	_ =	shalt  }
0x65: {  	_ =	shalt  }
0x66: {  	_ =	shalt  }
0x67: {  	_ =	shalt  }
0x68: {  	_ =	shalt  }
0x69: {  	_ =	shalt  }
0x6a: {  	_ =	shalt  }
0x6b: {  	_ =	shalt  }
0x6c: {  	_ =	shalt  }
0x6d: {  	_ =	shalt  }
0x6e: {  	_ =	shalt  }
0x6f: {  	_ =	shalt  }
0x70: {  	_ =	shalt  }
0x71: {  	_ =	shalt  }
0x72: {  	_ =	shalt  }
0x73: {  	_ =	shalt  }
0x74: {  	_ =	shalt  }
0x75: {  	_ =	shalt  }
0x76: {  	_ =	shalt  }
0x77: {  	_ =	shalt  }
0x78: {  	_ =	shalt  }
0x79: {  	_ =	shalt  }
0x7a: {  	_ =	shalt  }
0x7b: {  	_ =	shalt  }
0x7c: {  	_ =	shalt  }
0x7d: {  	_ =	shalt  }
0x7e: {  	_ =	shalt  }
0x7f: {  	_ =	shalt  }
0x80: {  	_ =	shalt  }
0x81: {  	_ =	shalt  }
0x82: {  	_ =	shalt  }
0x83: {  	_ =	shalt  }
0x84: {  	_ =	shalt  }
0x85: {  	_ =	shalt  }
0x86: {  	_ =	shalt  }
0x87: {  	_ =	shalt  }
.Lfunc_end0:
.L_simem_size_0:
called_computation.1_lowered:
.L_overlay_start_0:
0x88: {  	s2 =	sld [smem:$0x3FD9]  }
0x89: {  	s3 =	sld [smem:$0x3FFE];
	_ =	sdelay $0x1  }
0x8a: {  	s1 =	srdreg.scid  }
0x8b: {  	s0 =	sand.u32 $0x1, s1  }
0x8c: {  	s17 =	sshll.u32 s0, $0xA;
	s2 =	sadd.s32 s3, s2  }
0x8d: {  	s2 =	sadd.s32 s2, s17  }
0x8e: {  	[smem:$0x3FC5] =	sst s2  }
0x8f: {  	_ = 	snop  }
0x90: {  	s2 =	sld [smem:$0x3FC7];
	(tm) =	ssettm $0x1  }
0x91: {  	s18 =	sld [smem:$0x3FFB];
	_ =	sdelay $0x3  }
0x92: {  	_ =	strace s18  }
0x93: {  	s3 =	sld [smem:$0x3FFC];
	_ =	sdelay $0x3  }
0x94: {  	_ =	strace s3  }
0x95: {  	s3 =	sld [smem:$0x3FFD];
	_ =	sdelay $0x3  }
0x96: {  	_ =	strace s3  }
0x97: {  	_ =	strace $0x8FFFFFFF  }
0x98: {  	s19 =	sld [smem:$0x3FDB];
	_ =	sdelay $0x1  }
0x99: {  	s4 =	simm.s32 $_scs_section_size  }
0x9a: {  	s5 =	simm.s32 $_size__tile_overlayer_lowered;
	s6 =	simm.s32 $_tile_overlayer_lowered  }
0x9b: {  	s22 =	simm.s32 $0x1BFF;
	s21 =	sshll.u32 s6, $0x1;
	s3 =	sadd.s32 s4, s19  }
0x9c: {  	s7 =	simm.s32 $0x0;
	s20 =	sshll.u32 s5, $0x1;
	s5 =	sadd.s32 s21, s3  }
0x9d: {  	[timem:s7], [sflag:s22] =	dma.local [hbm:s5], s20  }
0x9e: {  	_ =	swait.ge [sflag:s22], s20  }
0x9f: {  	s4 =	ssub.s32 $0x0, s20;
	[sflag:s22] =	ssyncset.done $0x0  }
0xa0: {  	[sflag:s22] =	ssyncadd.s32 s4;
	_ =	sdelay $0x1  }
0xa1: {  	s23 =	simm.s32 $0x1B8B  }
0xa2: {  	_ =	swait.ge [sflag:s23], $0x1  }
0xa3: {  	[sflag:s23] =	ssyncset.done $0x0  }
0xa4: {  	s25 =	simm.s32 $0x1B8E;
	s24 =	sld [smem:$0x3FFE];
	[sflag:s23] =	ssyncadd.s32 $0xFFFFFFFF  }
0xa5: {  	s26 =	simm.s32 $execute0_lowered;
	[smem:$0x3FD2] =	sst s25  }
0xa6: {  	s5 =	sshll.u32 s26, $0x1;
	_ =	strace $0x80000046;
	[dreg:$0x1] =	wrdreg $0xFFFFFFFF  }
0xa7: {  	s28 =	simm.s32 $_size_execute0_lowered;
	s3 =	sadd.s32 s3, s5;
	[dreg:$0x0] =	wrdreg $0x0  }
0xa8: {  	s5 =	sshll.u32 s28, $0x1;
	[dreg:$0x2] =	wrdreg s3  }
0xa9: {  	[dreg:$0x3] =	wrdreg s5  }
0xaa: {  	[dreg:$0x4] =	wrdreg $0xC0  }
0xab: {  	_ =	task [dreg:s7], $0x5FFFF  }
0xac: {  	[dreg:$0x1] =	wrdreg $0xFFFFFFFF  }
0xad: {  	[dreg:$0x0] =	wrdreg $0x60  }
0xae: {  	[dreg:$0x2] =	wrdreg s2  }
0xaf: {  	[dreg:$0x3] =	wrdreg s24  }
0xb0: {  	[dreg:$0x4] =	wrdreg $0x9  }
0xb1: {  	_ =	task.clear_ibuf [dreg:s7], $0x5FFFF;
	_ =	strace $0x90000046  }
0xb2: {  	s29 =	simm.s32 $0x9;
	_ =	strace $0x80000048  }
0xb3: {  	_ =	swait.ge [sflag:s29], $0x1  }
0xb4: {  	[sflag:s29] =	ssyncadd.s32 $0xFFFFFFFF  }
0xb5: {  	_ =	strace $0x90000048  }
0xb6: {  	_ =	sfence  }
0xb7: {  	s30 =	sld [smem:$0x0];
	_ =	sdelay $0x2  }
0xb8: {  	s31 =	sshll.u32 s1, $0xD;
	s1 =	sshrl.u32 s1, $0x2  }
0xb9: {  	s3 =	sand.u32 $0x4000, s31;
	s1 =	sadd.s32 s1, s30  }
0xba: {  	s0 =	sor.u32 s3, s0;
	s1 =	sshll.u32 s1, $0x11  }
0xbb: {  	s0 =	sor.u32 s1, s0  }
0xbc: {  	s0 =	sadd.s32 $0x8F2B, s0  }
0xbd: {  	[sflag:s0] =	ssyncadd.remote.s32 $0x1  }
0xbe: {  	_ =	sfence.sel $0xFFFF  }
0xbf: {  	[dreg:$0x0] =	wrdreg $0xFFFFFFFF;
	(pc) =	sbr.abs _section_cstart, $3  }
0xc0: {  	[dreg:$0x1] =	wrdreg $0xFFFFFFFF  }
0xc1: {  	_ =	task.clear_ibuf [dreg:s7], $0x2FFFF;
	_ =	strace $0x9FFFFFFF  }
0xc2: {  	(tm) =	ssettm $0x7FFFFFFF  }
0xc3: {  	_ =	shalt  }
tec
execute0_lowered:
.L_overlay_start_1:
0x0: {  	(tag) =	ssettag $0x1  }
0x1: {  	s2 =	rddreg [dreg:$0x0];
	s0 =	srdreg.scid  }
0x2: {  	s4 =	rddreg [dreg:$0x1];
	s1 =	stileid.u32;
	s3 =	simm.s32 $0x0  }
0x3: {  	v0 =	vimm.s32 $0xFFEDCBA9;
	v1 =	vimm.s32 $0x87654321;
	s5 =	sand.u32 $0x1, s0;
	s0 =	rddreg [dreg:$0x2];
	s6 =	sshll.u32 s1, $0xE  }
0x4: {  	v0 =	vunpack.c.l.s4.s8 v0;
	v1 =	vunpack.c.l.s4.s8 v1;
	[smem:$0x7FF] =	sst s3;
	s7 =	sshll.u32 s5, $0xD;
	s5 =	ssub.s32 $0x2, s5  }
0x5: {  	_ =	strace $0x80000047;
	s6 =	sor.u32 s7, s6;
	s8 =	sshrl.u32 s5, $0x1  }
0x6: {  	v3 =	vunpack.c.0.s8.s32 v0;
	v4 =	vunpack.c.0.s8.s32 v1;
	s7 =	sshrl.u32 s6, $0x3;
	s5 =	ssub.s32 s5, s8;
	s31 =	sadd.s32 $0x2000, s6  }
0x7: {  	v2 =	vlaneseq.u32;
	v0 =	vmov s6;
	s6 =	simm.s32 $0x1;
	s8 =	simm.s32 $0x0;
	s4 =	sadd.s32 s7, s4  }
0x8: {  	vm0 =	vcmask $0x3F3C;
	v1 =	vmov s31;
	s5 =	smax.u32 s5, $0x1;
	v3 =	vcombine.low v4, v3;
	s7 =	simm.s32 $0x4000;
	s4 =	sadd.s32 $0xE00, s4  }
.LBB2_1:
0x9: {  	[tilespmem:s3], [sflag:$0x1] =	stream.linear.gather [hbm4b:s2+s3], $0x4000, $0x38;
	[tilespmem:$0x6000] =	vst v63  }
0xa: {  	_ =	swait.ge [sflag:s6], $0x4000  }
0xb: {  	[sflag:s6] =	ssyncset.done $0x0  }
0xc: {  	[sflag:s6] =	ssyncadd.s32 $0xFFFFC000  }
0xd: {  	s10 =	simm.s32 $0x10;
	s9 =	simm.s32 $0x0;
	s11 =	simm.s32 $0x0;
	v4 =	vld [tilespmem:s3+$0x0]  }
.LBB2_2:
0xe: {  	p0 =	sne.s32 s10, $0x3FF0;
	_ =	sdelay $0x3  }
0xf: {  	v4 =	vshll.u32 v4, $0xE  }
0x10: {  	v4 =	vadd.s32 s9, v4;
	s9 =	smov.u32 s10  }
0x11: {  	v4 =	vadd.s32 v2, v4  }
0x12: {  	v5 =	vxor.u32 $0x80000000, v4  }
0x13: {  	(xrf1) =	vsort.ascd.msk.u32 $0xffff, v5, v4;
	_ =	sdelay $0xd  }
0x14: {  	v4, _, _ =	vpop (xrf1)  }
0x15: {  	v5 =	vshrl.u32 v4, $0xE  }
0x16: {  	v5 =	vxor.u32 $0x20000, v5  }
0x17: {  	v6 =	vperm.xlane v5, v3;
	_ =	sdelay $0x1  }
0x18: {  	vm2 =	vge.u32 v5, v0;
	vm3 =	vlt.u32 v5, v1;
	vm1 =	vne.s32 v5, v6  }
0x19: {  	vm2 =	vmand vm2, vm3;
	vm1 =	vmor vm1, vm0  }
0x1a: {  	v5 =	vsub.s32 v5, v0;
	vm1 =	vmand vm1, vm2  }
0x1b: {  	v5 =	vnsel vm1, $0x0, v5;
	_ =	sdelay $0x1  }
.Ltmp0:
0x1c: {  	(pc) =	sbr.rel @p0 .LBB2_2-.Ltmp0, $4  }
0x1d: {  	_ = 	snop  }
0x1e: {  	v4 =	vand.u32 $0x3FFF, v4  }
0x1f: {  	s11 =	sadd.s32 $0x10, s11;
	[tilespmem:v5+s7+$0x0] =	vst.idx.msk vm1, v4  }
0x20: {  	s10 =	sadd.s32 $0x10, s10;
	v4 =	vld [tilespmem:s11+$0x0]  }
0x21: {  	_ =	sdelay $0x3  }
0x22: {  	v4 =	vshll.u32 v4, $0xE  }
0x23: {  	v4 =	vadd.s32 s9, v4  }
0x24: {  	v4 =	vadd.s32 v2, v4  }
0x25: {  	v5 =	vxor.u32 $0x80000000, v4  }
0x26: {  	(xrf1) =	vsort.ascd.msk.u32 $0xffff, v5, v4;
	_ =	sdelay $0xd  }
0x27: {  	v4, _, _ =	vpop (xrf1)  }
0x28: {  	v5 =	vshrl.u32 v4, $0xE  }
0x29: {  	v5 =	vxor.u32 $0x20000, v5  }
0x2a: {  	v6 =	vperm.xlane v5, v3;
	_ =	sdelay $0x1  }
0x2b: {  	vm2 =	vge.u32 v5, v0;
	vm3 =	vlt.u32 v5, v1;
	vm1 =	vne.s32 v5, v6  }
0x2c: {  	vm2 =	vmand vm2, vm3;
	vm1 =	vmor vm1, vm0  }
0x2d: {  	v5 =	vsub.s32 v5, v0;
	vm1 =	vmand vm1, vm2  }
0x2e: {  	v5 =	vnsel vm1, $0x0, v5;
	_ =	sdelay $0x2  }
0x2f: {  	s8 =	sadd.s32 $0x1, s8  }
0x30: {  	p0 =	sne.s32 s8, s5;
	v4 =	vand.u32 $0x3FFF, v4  }
.Ltmp1:
0x31: {  	[tilespmem:v5+s7+$0x0] =	vst.idx.msk vm1, v4;
	(pc) =	sbr.rel @p0 .LBB2_1-.Ltmp1, $4  }
0x32: {  	[hbm4b:s4+s3] =	stream.linear.scatter [tilespmem:s7], [sflag:$0x1], $0x2000, $0x38;
	[tilespmem:$0x6000] =	vst v63  }
0x33: {  	_ =	swait.ge [sflag:s6], $0x2000  }
0x34: {  	[sflag:s6] =	ssyncset.done $0x0  }
0x35: {  	[sflag:s6] =	ssyncadd.s32 $0xFFFFE000  }
0x36: {  	_ =	sfence.sel $0x180000  }
0x37: {  	[bflag:$0x0] =	sbarrier.arrive $0xFFFF  }
0x38: {  	p0 =	sne.s32 s1, $0x0;
	_ =	strace $0x90000047  }
0x39: {  	s0 =	sadd.s32 @!p0 $0x100000, s0;
	[bflag:$0x2] =	sbarrier.arrive $0xFFFF  }
0x3a: {  	[sflag:s0] =	ssyncadd.tile.s32 @!p0 $0x1;
	_ =	shalt  }
.Lfunc_end2:
_tile_overlayer_lowered:
.L_overlay_start_2:
0x3b: {  	(tag) =	ssettag $0x2  }
0x3c: {  	s0 =	rddreg [dreg:$0x0];
	s2 =	stileid.u32  }
0x3d: {  	s1 =	rddreg [dreg:$0x1];
	p0 =	sne.s32 s2, $0x0  }
0x3e: {  	s3 =	rddreg [dreg:$0x2];
	[bflag:$0x3] =	sbarrier.arrive $0xFFFF;
	s2 =	simm.s32 @!p0 $0x1C01  }
0x3f: {  	[timem:s3], [sflag:s2] =	dma.local @!p0 [hbm:s0], s1  }
0x40: {  	s0 =	simm.s32 @!p0 $0x1  }
0x41: {  	_ =	swait.ge @!p0 [sflag:s0], s1  }
0x42: {  	s1 =	ssub.s32 @!p0 $0x0, s1;
	[sflag:s0] =	ssyncset.done @!p0 $0x0  }
0x43: {  	[sflag:s0] =	ssyncadd.s32 @!p0 s1  }
0x44: {  	[bflag:$0x3] =	sbarrier.arrive $0xFFFF  }
0x45: {  	_ =	shalt  }

// kernel: kernel.9.cloned.1.call-start
scs
__scs_entry_jumppad:
0x0: {  	(pc) =	sbr.rel $0x88, $3  }
0x1: {  	(tag) =	ssettag $0x0;
	lr =	simm.s32 $0x1  }
0x2: {  	[smem:$0x3F9E] =	sst lr;
	_ =	strace $0xD0000000  }
0x3: {  	_ = 	snop  }
0x4: {  	_ = 	snop  }
0x5: {  	_ = 	snop  }
0x6: {  	_ = 	snop  }
0x7: {  	_ = 	snop  }
__scs_overlays_trampoline_lowered:
0x8: {  	[smem:$0x3FAD] =	sst s0  }
0x9: {  	[smem:$0x3FAE] =	sst s1  }
0xa: {  	[smem:$0x3FAF] =	sst s2  }
0xb: {  	[smem:$0x3FB0] =	sst s3  }
0xc: {  	[smem:$0x3FB1] =	sst s4  }
0xd: {  	[smem:$0x3FB2] =	sst s5  }
0xe: {  	[smem:$0x3FB3] =	sst s6  }
0xf: {  	[smem:$0x3FB4] =	sst s7  }
0x10: {  	[smem:$0x3FB5] =	sst s8  }
0x11: {  	[smem:$0x3FB6] =	sst s9;
	s0 =	simm.s32 @!p0 $0x0  }
0x12: {  	s1 =	sld [smem:$0x3F9C];
	s0 =	simm.s32 @p0 $0x1  }
0x13: {  	[smem:$0x3FB7] =	sst s0;
	s0 =	simm.s32 @!p1 $0x0  }
0x14: {  	s2 =	sld [smem:$0x3F9B];
	s0 =	simm.s32 @p1 $0x1  }
0x15: {  	[smem:$0x3FB8] =	sst s0;
	s0 =	simm.s32 @!p2 $0x0  }
0x16: {  	s3 =	sld [smem:$0x3FDB];
	s0 =	simm.s32 @p2 $0x1  }
0x17: {  	s4 =	simm.s32 $0x1BF5;
	[smem:$0x3FBA] =	sst s0  }
0x18: {  	s0 =	sld [smem:$0x3F9D];
	_ =	swait.ge [sflag:s4], $0x0  }
0x19: {  	s7 =	sld [smem:$0x3F9E]  }
0x1a: {  	s8 =	sadd.s32 $0xFFFFE003, lr  }
0x1b: {  	s9 =	sadd.s32 $0xFFFFFEF7, lr;
	s5 =	simm.s32 $0xFFFFFFFF;
	p2 =	slt.u32 s8, $0xFFFFF086  }
0x1c: {  	p1 =	slt.u32 s9, $0xF7A;
	s5 =	simm.s32 @!p2 $0x0  }
0x1d: {  	s5 =	simm.s32 @p1 $0x1;
	p0 =	seq.s32 s7, s2  }
0x1e: {  	s7 =	smul.u32 @!p0 $0xF7A, s2;
	p2 =	seq.s32 @!p0 s5, $0x0  }
0x1f: {  	s9 =	smul.u32 $0xF7A, s1;
	s8 =	simm.s32 @!p0 $0x1BF5;
	p2 =	por !p2, p0  }
0x20: {  	[sflag:s8] =	ssyncset.s32 @!p0 $0xFFFFF086;
	s6 =	sadd.s32 @!p0 s3, s7;
	s7 =	simm.s32 @!p0 $0x108  }
0x21: {  	s3 =	sadd.s32 s3, s9;
	s6 =	sadd.s32 @!p0 $0x88, s6;
	s7 =	simm.s32 @p2 $0x1082  }
0x22: {  	[simem:s7], [sflag:s8] =	dma.local @!p0 [hbm:s6], $0xF7A  }
0x23: {  	s9 =	sor.u32 $0xD0000000, s2;
	s6 =	simm.s32 $0x108;
	_ =	swait.ge @!p0 [sflag:s8], $0x0  }
0x24: {  	s3 =	sadd.s32 $0x88, s3;
	s6 =	simm.s32 @!p1 $0x1082;
	[sflag:s4] =	ssyncset.s32 $0xFFFFF086  }
0x25: {  	[simem:s6], [sflag:s4] =	dma.local [hbm:s3], $0xF7A  }
0x26: {  	[smem:$0x3F9E] =	sst s1;
	(tag) =	ssettag s2;
	_ =	strace s9  }
0x27: {  	s1 =	sld [smem:$0x3FAE]  }
0x28: {  	s2 =	sld [smem:$0x3FAF]  }
0x29: {  	s4 =	sld [smem:$0x3FB1]  }
0x2a: {  	p0 =	seq.s32 s5, $0x0;
	s5 =	sld [smem:$0x3FB2]  }
0x2b: {  	s6 =	sld [smem:$0x3FB3]  }
0x2c: {  	s7 =	sld [smem:$0x3FB4]  }
0x2d: {  	s3 =	simm.s32 $0x108;
	s8 =	sld [smem:$0x3FB5]  }
0x2e: {  	s3 =	simm.s32 @!p0 $0x1082;
	s9 =	sld [smem:$0x3FB6]  }
0x2f: {  	lr =	sadd.s32 s0, s3;
	s0 =	sld [smem:$0x3FAD]  }
0x30: {  	s3 =	sld [smem:$0x3FB0]  }
0x31: {  	[smem:$0x3FB9] =	sst s10  }
0x32: {  	s10 =	sld [smem:$0x3FB7];
	_ =	sdelay $0x3  }
0x33: {  	p0 =	seq.s32 s10, $0x1;
	s10 =	sld [smem:$0x3FB9];
	_ =	sdelay $0x3  }
0x34: {  	[smem:$0x3FB9] =	sst s10  }
0x35: {  	s10 =	sld [smem:$0x3FB8];
	_ =	sdelay $0x3  }
0x36: {  	p1 =	seq.s32 s10, $0x1;
	s10 =	sld [smem:$0x3FB9];
	_ =	sdelay $0x3  }
0x37: {  	[smem:$0x3FB9] =	sst s10  }
0x38: {  	s10 =	sld [smem:$0x3FBA]  }
0x39: {  	_ = 	snop;
	(pc) =	sbr.ind lr, $3  }
0x3a: {  	_ = 	snop  }
0x3b: {  	_ = 	snop  }
0x3c: {  	p2 =	seq.s32 s10, $0x1;
	s10 =	sld [smem:$0x3FB9]  }
0x3d: {  	_ =	shalt  }
0x3e: {  	_ =	shalt  }
0x3f: {  	_ =	shalt  }
0x40: {  	_ =	shalt  }
0x41: {  	_ =	shalt  }
0x42: {  	_ =	shalt  }
0x43: {  	_ =	shalt  }
0x44: {  	_ =	shalt  }
0x45: {  	_ =	shalt  }
0x46: {  	_ =	shalt  }
0x47: {  	_ =	shalt  }
0x48: {  	_ =	shalt  }
0x49: {  	_ =	shalt  }
0x4a: {  	_ =	shalt  }
0x4b: {  	_ =	shalt  }
0x4c: {  	_ =	shalt  }
0x4d: {  	_ =	shalt  }
0x4e: {  	_ =	shalt  }
0x4f: {  	_ =	shalt  }
0x50: {  	_ =	shalt  }
0x51: {  	_ =	shalt  }
0x52: {  	_ =	shalt  }
0x53: {  	_ =	shalt  }
0x54: {  	_ =	shalt  }
0x55: {  	_ =	shalt  }
0x56: {  	_ =	shalt  }
0x57: {  	_ =	shalt  }
0x58: {  	_ =	shalt  }
0x59: {  	_ =	shalt  }
0x5a: {  	_ =	shalt  }
0x5b: {  	_ =	shalt  }
0x5c: {  	_ =	shalt  }
0x5d: {  	_ =	shalt  }
0x5e: {  	_ =	shalt  }
0x5f: {  	_ =	shalt  }
0x60: {  	_ =	shalt  }
0x61: {  	_ =	shalt  }
0x62: {  	_ =	shalt  }
0x63: {  	_ =	shalt  }
0x64: {  	_ =	shalt  }
0x65: {  	_ =	shalt  }
0x66: {  	_ =	shalt  }
0x67: {  	_ =	shalt  }
0x68: {  	_ =	shalt  }
0x69: {  	_ =	shalt  }
0x6a: {  	_ =	shalt  }
0x6b: {  	_ =	shalt  }
0x6c: {  	_ =	shalt  }
0x6d: {  	_ =	shalt  }
0x6e: {  	_ =	shalt  }
0x6f: {  	_ =	shalt  }
0x70: {  	_ =	shalt  }
0x71: {  	_ =	shalt  }
0x72: {  	_ =	shalt  }
0x73: {  	_ =	shalt  }
0x74: {  	_ =	shalt  }
0x75: {  	_ =	shalt  }
0x76: {  	_ =	shalt  }
0x77: {  	_ =	shalt  }
0x78: {  	_ =	shalt  }
0x79: {  	_ =	shalt  }
0x7a: {  	_ =	shalt  }
0x7b: {  	_ =	shalt  }
0x7c: {  	_ =	shalt  }
0x7d: {  	_ =	shalt  }
0x7e: {  	_ =	shalt  }
0x7f: {  	_ =	shalt  }
0x80: {  	_ =	shalt  }
0x81: {  	_ =	shalt  }
0x82: {  	_ =	shalt  }
0x83: {  	_ =	shalt  }
0x84: {  	_ =	shalt  }
0x85: {  	_ =	shalt  }
0x86: {  	_ =	shalt  }
0x87: {  	_ =	shalt  }
.Lfunc_end0:
.L_simem_size_0:
called_computation.2_lowered:
.L_overlay_start_0:
0x88: {  	s2 =	sld [smem:$0x3FD9]  }
0x89: {  	s3 =	sld [smem:$0x3FFE];
	_ =	sdelay $0x1  }
0x8a: {  	s1 =	srdreg.scid  }
0x8b: {  	s0 =	sand.u32 $0x1, s1  }
0x8c: {  	s17 =	sshll.u32 s0, $0xA;
	s2 =	sadd.s32 s3, s2  }
0x8d: {  	s2 =	sadd.s32 s2, s17  }
0x8e: {  	[smem:$0x3FC5] =	sst s2  }
0x8f: {  	_ = 	snop  }
0x90: {  	s2 =	sld [smem:$0x3FC7]  }
0x91: {  	s18 =	sld [smem:$0x3FD0];
	(tm) =	ssettm $0x1  }
0x92: {  	s4 =	sld [smem:$0x3FFB];
	_ =	sdelay $0x3  }
0x93: {  	_ =	strace s4  }
0x94: {  	s4 =	sld [smem:$0x3FFC];
	_ =	sdelay $0x3  }
0x95: {  	_ =	strace s4  }
0x96: {  	s4 =	sld [smem:$0x3FFD];
	_ =	sdelay $0x3  }
0x97: {  	_ =	strace s4  }
0x98: {  	_ =	strace $0x8FFFFFFF  }
0x99: {  	s19 =	sld [smem:$0x3FDB];
	_ =	sdelay $0x1  }
0x9a: {  	s5 =	simm.s32 $_scs_section_size  }
0x9b: {  	s6 =	simm.s32 $_size__tile_overlayer_lowered;
	s7 =	simm.s32 $_tile_overlayer_lowered  }
0x9c: {  	s22 =	simm.s32 $0x1BFF;
	s21 =	sshll.u32 s7, $0x1;
	s4 =	sadd.s32 s5, s19  }
0x9d: {  	s8 =	simm.s32 $0x0;
	s20 =	sshll.u32 s6, $0x1;
	s6 =	sadd.s32 s21, s4  }
0x9e: {  	[timem:s8], [sflag:s22] =	dma.local [hbm:s6], s20  }
0x9f: {  	_ =	swait.ge [sflag:s22], s20  }
0xa0: {  	s5 =	ssub.s32 $0x0, s20;
	[sflag:s22] =	ssyncset.done $0x0  }
0xa1: {  	[sflag:s22] =	ssyncadd.s32 s5;
	_ =	sdelay $0x1  }
0xa2: {  	s23 =	simm.s32 $0x1B8B  }
0xa3: {  	_ =	swait.ge [sflag:s23], $0x1  }
0xa4: {  	[sflag:s23] =	ssyncset.done $0x0  }
0xa5: {  	s25 =	simm.s32 $0x1B8E;
	s24 =	sld [smem:$0x3FFE];
	[sflag:s23] =	ssyncadd.s32 $0xFFFFFFFF  }
0xa6: {  	s26 =	simm.s32 $execute0_lowered;
	[smem:$0x3FD2] =	sst s25  }
0xa7: {  	s6 =	sshll.u32 s26, $0x1;
	_ =	strace $0x80000049;
	[dreg:$0x1] =	wrdreg $0xFFFFFFFF  }
0xa8: {  	s28 =	simm.s32 $_size_execute0_lowered;
	s4 =	sadd.s32 s4, s6;
	[dreg:$0x0] =	wrdreg $0x0  }
0xa9: {  	s6 =	sshll.u32 s28, $0x1;
	[dreg:$0x2] =	wrdreg s4  }
0xaa: {  	[dreg:$0x3] =	wrdreg s6  }
0xab: {  	[dreg:$0x4] =	wrdreg $0xC0  }
0xac: {  	_ =	task [dreg:s8], $0x5FFFF  }
0xad: {  	[dreg:$0x1] =	wrdreg $0xFFFFFFFF  }
0xae: {  	[dreg:$0x0] =	wrdreg $0x60  }
0xaf: {  	[dreg:$0x2] =	wrdreg s24  }
0xb0: {  	[dreg:$0x3] =	wrdreg s18  }
0xb1: {  	[dreg:$0x4] =	wrdreg s2  }
0xb2: {  	[dreg:$0x5] =	wrdreg $0x9  }
0xb3: {  	_ =	task.clear_ibuf [dreg:s8], $0x6FFFF;
	_ =	strace $0x90000049  }
0xb4: {  	s29 =	simm.s32 $0x9;
	_ =	strace $0x8000004B  }
0xb5: {  	_ =	swait.ge [sflag:s29], $0x1  }
0xb6: {  	[sflag:s29] =	ssyncadd.s32 $0xFFFFFFFF  }
0xb7: {  	_ =	strace $0x9000004B  }
0xb8: {  	_ =	sfence  }
0xb9: {  	s30 =	sld [smem:$0x0];
	_ =	sdelay $0x2  }
0xba: {  	s31 =	sshll.u32 s1, $0xD;
	s1 =	sshrl.u32 s1, $0x2  }
0xbb: {  	s3 =	sand.u32 $0x4000, s31;
	s1 =	sadd.s32 s1, s30  }
0xbc: {  	s0 =	sor.u32 s3, s0;
	s1 =	sshll.u32 s1, $0x11  }
0xbd: {  	s0 =	sor.u32 s1, s0  }
0xbe: {  	s0 =	sadd.s32 $0x8F2B, s0  }
0xbf: {  	[sflag:s0] =	ssyncadd.remote.s32 $0x1  }
0xc0: {  	_ =	sfence.sel $0xFFFF  }
0xc1: {  	[dreg:$0x0] =	wrdreg $0xFFFFFFFF;
	(pc) =	sbr.abs _section_cstart, $3  }
0xc2: {  	[dreg:$0x1] =	wrdreg $0xFFFFFFFF  }
0xc3: {  	_ =	task.clear_ibuf [dreg:s8], $0x2FFFF;
	_ =	strace $0x9FFFFFFF  }
0xc4: {  	(tm) =	ssettm $0x7FFFFFFF  }
0xc5: {  	_ =	shalt  }
tec
execute0_lowered:
.L_overlay_start_1:
0x0: {  	(tag) =	ssettag $0x1  }
0x1: {  	s22 =	rddreg [dreg:$0x0]  }
0x2: {  	s2 =	rddreg [dreg:$0x1]  }
0x3: {  	s4 =	rddreg [dreg:$0x2];
	s3 =	srdreg.scid  }
0x4: {  	s0 =	rddreg [dreg:$0x3];
	s1 =	stileid.u32;
	s23 =	sand.u32 $0x1, s3  }
0x5: {  	s3 =	simm.s32 $0x0;
	s5 =	sshll.u32 s1, $0x7;
	s6 =	sshll.u32 s23, $0x6  }
0x6: {  	[smem:$0x7FF] =	sst s3;
	s5 =	sor.u32 s6, s5  }
0x7: {  	_ =	strace $0x8000004A;
	s4 =	sadd.s32 s4, s5;
	s5 =	simm.s32 $0x2  }
0x8: {  	[tilespmem:s3], [sflag:$0x2] =	stream.linear.gather [hbm4b:s4+s3], $0x80, $0x38;
	[tilespmem:$0x10400] =	vst v63  }
0x9: {  	_ =	swait.ge [sflag:s5], $0x80  }
0xa: {  	[sflag:s5] =	ssyncset.done $0x0  }
0xb: {  	s7 =	simm.s32 $0x80;
	s6 =	sadd.s32 $0x10, s4;
	[sflag:s5] =	ssyncadd.s32 $0xFFFFFF80  }
0xc: {  	[tilespmem:s7], [sflag:$0x2] =	stream.linear.gather [hbm4b:s6+s3], $0x80, $0x38;
	[tilespmem:$0x10400] =	vst v63  }
0xd: {  	_ =	swait.ge [sflag:s5], $0x80  }
0xe: {  	[sflag:s5] =	ssyncset.done $0x0  }
0xf: {  	s9 =	simm.s32 $0x100;
	s8 =	sadd.s32 $0x20, s4;
	[sflag:s5] =	ssyncadd.s32 $0xFFFFFF80  }
0x10: {  	[tilespmem:s9], [sflag:$0x2] =	stream.linear.gather [hbm4b:s8+s3], $0x80, $0x38;
	[tilespmem:$0x10400] =	vst v63  }
0x11: {  	_ =	swait.ge [sflag:s5], $0x80  }
0x12: {  	[sflag:s5] =	ssyncset.done $0x0  }
0x13: {  	s11 =	simm.s32 $0x180;
	s10 =	sadd.s32 $0x30, s4;
	[sflag:s5] =	ssyncadd.s32 $0xFFFFFF80  }
0x14: {  	[tilespmem:s11], [sflag:$0x2] =	stream.linear.gather [hbm4b:s10+s3], $0x80, $0x38;
	[tilespmem:$0x10400] =	vst v63  }
0x15: {  	_ =	swait.ge [sflag:s5], $0x80  }
0x16: {  	s14 =	simm.s32 $0x200;
	[sflag:s5] =	ssyncset.done $0x0  }
0x17: {  	s13 =	simm.s32 $0x1;
	s12 =	sadd.s32 $0xE00, s22;
	[sflag:s5] =	ssyncadd.s32 $0xFFFFFF80  }
0x18: {  	[tilespmem:s14], [sflag:$0x1] =	stream.indirect.gather [hbm4b:s12+s7], $0x1, s3, s7, $0xb8;
	[tilespmem:$0x10400] =	vst v63  }
0x19: {  	_ =	swait.ge [sflag:s13], $0x80  }
0x1a: {  	[sflag:s13] =	ssyncset.done $0x0  }
0x1b: {  	s15 =	simm.s32 $0x280;
	[sflag:s13] =	ssyncadd.s32 $0xFFFFFF80  }
0x1c: {  	[tilespmem:s15], [sflag:$0x1] =	stream.indirect.gather [hbm4b:s12+s7], $0x1, s7, s7, $0xb8;
	[tilespmem:$0x10400] =	vst v63  }
0x1d: {  	_ =	swait.ge [sflag:s13], $0x80  }
0x1e: {  	[sflag:s13] =	ssyncset.done $0x0  }
0x1f: {  	s16 =	simm.s32 $0x300;
	[sflag:s13] =	ssyncadd.s32 $0xFFFFFF80  }
0x20: {  	[tilespmem:s16], [sflag:$0x1] =	stream.indirect.gather [hbm4b:s12+s7], $0x1, s9, s7, $0xb8;
	[tilespmem:$0x10400] =	vst v63  }
0x21: {  	_ =	swait.ge [sflag:s13], $0x80  }
0x22: {  	[sflag:s13] =	ssyncset.done $0x0  }
0x23: {  	s17 =	simm.s32 $0x380;
	[sflag:s13] =	ssyncadd.s32 $0xFFFFFF80  }
0x24: {  	[tilespmem:s17], [sflag:$0x1] =	stream.indirect.gather [hbm4b:s12+s7], $0x1, s11, s7, $0xb8;
	[tilespmem:$0x10400] =	vst v63  }
0x25: {  	_ =	swait.ge [sflag:s13], $0x80  }
0x26: {  	[sflag:s13] =	ssyncset.done $0x0  }
0x27: {  	s18 =	simm.s32 $0x400;
	[sflag:s13] =	ssyncadd.s32 $0xFFFFFF80  }
0x28: {  	[tilespmem:s18], [sflag:$0x1] =	stream.indirect.gather [hbm4b:s2+s7], $0x80, s14, s7, $0xb8;
	[tilespmem:$0x10400] =	vst v63  }
0x29: {  	_ =	swait.ge [sflag:s13], $0x4000  }
0x2a: {  	[sflag:s13] =	ssyncset.done $0x0  }
0x2b: {  	s19 =	simm.s32 $0x4400;
	[sflag:s13] =	ssyncadd.s32 $0xFFFFC000  }
0x2c: {  	[tilespmem:s19], [sflag:$0x1] =	stream.indirect.gather [hbm4b:s2+s7], $0x80, s15, s7, $0xb8;
	[tilespmem:$0x10400] =	vst v63  }
0x2d: {  	_ =	swait.ge [sflag:s13], $0x4000  }
0x2e: {  	[sflag:s13] =	ssyncset.done $0x0  }
0x2f: {  	s20 =	simm.s32 $0x8400;
	[sflag:s13] =	ssyncadd.s32 $0xFFFFC000  }
0x30: {  	[tilespmem:s20], [sflag:$0x1] =	stream.indirect.gather [hbm4b:s2+s7], $0x80, s16, s7, $0xb8;
	[tilespmem:$0x10400] =	vst v63  }
0x31: {  	_ =	swait.ge [sflag:s13], $0x4000  }
0x32: {  	[sflag:s13] =	ssyncset.done $0x0  }
0x33: {  	s21 =	simm.s32 $0xC400;
	[sflag:s13] =	ssyncadd.s32 $0xFFFFC000  }
0x34: {  	[tilespmem:s21], [sflag:$0x1] =	stream.indirect.gather [hbm4b:s2+s7], $0x80, s17, s7, $0xb8;
	[tilespmem:$0x10400] =	vst v63  }
0x35: {  	_ =	swait.ge [sflag:s13], $0x4000  }
0x36: {  	[sflag:s13] =	ssyncset.done $0x0  }
0x37: {  	s22 =	sadd.s32 $0x408E00, s22;
	[sflag:s13] =	ssyncadd.s32 $0xFFFFC000  }
0x38: {  	[hbm4b:s22+s7] =	stream.indirect.scatter [tilespmem:s18], [sflag:$0x1], $0x80, s3, s7, $0xb8;
	[tilespmem:$0x10400] =	vst v63  }
0x39: {  	_ =	swait.ge [sflag:s13], $0x4000  }
0x3a: {  	[sflag:s13] =	ssyncset.done $0x0  }
0x3b: {  	s23 =	ssub.s32 $0x2, s23;
	[sflag:s13] =	ssyncadd.s32 $0xFFFFC000  }
0x3c: {  	[hbm4b:s22+s7] =	stream.indirect.scatter [tilespmem:s19], [sflag:$0x1], $0x80, s7, s7, $0xb8;
	[tilespmem:$0x10400] =	vst v63  }
0x3d: {  	s24 =	sshrl.u32 s23, $0x1;
	_ =	swait.ge [sflag:s13], $0x4000  }
0x3e: {  	s23 =	ssub.s32 s23, s24;
	[sflag:s13] =	ssyncset.done $0x0  }
0x3f: {  	s23 =	smax.u32 s23, $0x1;
	[sflag:s13] =	ssyncadd.s32 $0xFFFFC000  }
0x40: {  	[hbm4b:s22+s7] =	stream.indirect.scatter [tilespmem:s20], [sflag:$0x1], $0x80, s9, s7, $0xb8;
	[tilespmem:$0x10400] =	vst v63  }
0x41: {  	p0 =	sne.s32 s23, $0x1;
	_ =	swait.ge [sflag:s13], $0x4000  }
.Ltmp0:
0x42: {  	[sflag:s13] =	ssyncset.done $0x0;
	(pc) =	sbr.rel @!p0 .LBB2_2-.Ltmp0, $4  }
0x43: {  	[sflag:s13] =	ssyncadd.s32 $0xFFFFC000  }
0x44: {  	[hbm4b:s22+s7] =	stream.indirect.scatter [tilespmem:s21], [sflag:$0x1], $0x80, s11, s7, $0xb8;
	[tilespmem:$0x10400] =	vst v63  }
0x45: {  	_ =	swait.ge [sflag:s13], $0x4000  }
0x46: {  	s23 =	sadd.s32 $0xFFFFFFFF, s23;
	[sflag:s13] =	ssyncset.done $0x0  }
.LBB2_1:
0x47: {  	p0 =	sne.s32 s23, $0x1;
	s23 =	sadd.s32 $0xFFFFFFFF, s23;
	[sflag:s13] =	ssyncadd.s32 $0xFFFFC000  }
0x48: {  	[tilespmem:s3], [sflag:$0x2] =	stream.linear.gather [hbm4b:s4+s3], $0x80, $0x38;
	[tilespmem:$0x10400] =	vst v63  }
0x49: {  	_ =	swait.ge [sflag:s5], $0x80  }
0x4a: {  	[sflag:s5] =	ssyncset.done $0x0  }
0x4b: {  	[sflag:s5] =	ssyncadd.s32 $0xFFFFFF80  }
0x4c: {  	[tilespmem:s7], [sflag:$0x2] =	stream.linear.gather [hbm4b:s6+s3], $0x80, $0x38;
	[tilespmem:$0x10400] =	vst v63  }
0x4d: {  	_ =	swait.ge [sflag:s5], $0x80  }
0x4e: {  	[sflag:s5] =	ssyncset.done $0x0  }
0x4f: {  	[sflag:s5] =	ssyncadd.s32 $0xFFFFFF80  }
0x50: {  	[tilespmem:s9], [sflag:$0x2] =	stream.linear.gather [hbm4b:s8+s3], $0x80, $0x38;
	[tilespmem:$0x10400] =	vst v63  }
0x51: {  	_ =	swait.ge [sflag:s5], $0x80  }
0x52: {  	[sflag:s5] =	ssyncset.done $0x0  }
0x53: {  	[sflag:s5] =	ssyncadd.s32 $0xFFFFFF80  }
0x54: {  	[tilespmem:s11], [sflag:$0x2] =	stream.linear.gather [hbm4b:s10+s3], $0x80, $0x38;
	[tilespmem:$0x10400] =	vst v63  }
0x55: {  	_ =	swait.ge [sflag:s5], $0x80  }
0x56: {  	[sflag:s5] =	ssyncset.done $0x0  }
0x57: {  	[sflag:s5] =	ssyncadd.s32 $0xFFFFFF80  }
0x58: {  	[tilespmem:s14], [sflag:$0x1] =	stream.indirect.gather [hbm4b:s12+s7], $0x1, s3, s7, $0xb8;
	[tilespmem:$0x10400] =	vst v63  }
0x59: {  	_ =	swait.ge [sflag:s13], $0x80  }
0x5a: {  	[sflag:s13] =	ssyncset.done $0x0  }
0x5b: {  	[sflag:s13] =	ssyncadd.s32 $0xFFFFFF80  }
0x5c: {  	[tilespmem:s15], [sflag:$0x1] =	stream.indirect.gather [hbm4b:s12+s7], $0x1, s7, s7, $0xb8;
	[tilespmem:$0x10400] =	vst v63  }
0x5d: {  	_ =	swait.ge [sflag:s13], $0x80  }
0x5e: {  	[sflag:s13] =	ssyncset.done $0x0  }
0x5f: {  	[sflag:s13] =	ssyncadd.s32 $0xFFFFFF80  }
0x60: {  	[tilespmem:s16], [sflag:$0x1] =	stream.indirect.gather [hbm4b:s12+s7], $0x1, s9, s7, $0xb8;
	[tilespmem:$0x10400] =	vst v63  }
0x61: {  	_ =	swait.ge [sflag:s13], $0x80  }
0x62: {  	[sflag:s13] =	ssyncset.done $0x0  }
0x63: {  	[sflag:s13] =	ssyncadd.s32 $0xFFFFFF80  }
0x64: {  	[tilespmem:s17], [sflag:$0x1] =	stream.indirect.gather [hbm4b:s12+s7], $0x1, s11, s7, $0xb8;
	[tilespmem:$0x10400] =	vst v63  }
0x65: {  	_ =	swait.ge [sflag:s13], $0x80  }
0x66: {  	[sflag:s13] =	ssyncset.done $0x0  }
0x67: {  	[sflag:s13] =	ssyncadd.s32 $0xFFFFFF80  }
0x68: {  	[tilespmem:s18], [sflag:$0x1] =	stream.indirect.gather [hbm4b:s2+s7], $0x80, s14, s7, $0xb8;
	[tilespmem:$0x10400] =	vst v63  }
0x69: {  	_ =	swait.ge [sflag:s13], $0x4000  }
0x6a: {  	[sflag:s13] =	ssyncset.done $0x0  }
0x6b: {  	[sflag:s13] =	ssyncadd.s32 $0xFFFFC000  }
0x6c: {  	[tilespmem:s19], [sflag:$0x1] =	stream.indirect.gather [hbm4b:s2+s7], $0x80, s15, s7, $0xb8;
	[tilespmem:$0x10400] =	vst v63  }
0x6d: {  	_ =	swait.ge [sflag:s13], $0x4000  }
0x6e: {  	[sflag:s13] =	ssyncset.done $0x0  }
0x6f: {  	[sflag:s13] =	ssyncadd.s32 $0xFFFFC000  }
0x70: {  	[tilespmem:s20], [sflag:$0x1] =	stream.indirect.gather [hbm4b:s2+s7], $0x80, s16, s7, $0xb8;
	[tilespmem:$0x10400] =	vst v63  }
0x71: {  	_ =	swait.ge [sflag:s13], $0x4000  }
0x72: {  	[sflag:s13] =	ssyncset.done $0x0  }
0x73: {  	[sflag:s13] =	ssyncadd.s32 $0xFFFFC000  }
0x74: {  	[tilespmem:s21], [sflag:$0x1] =	stream.indirect.gather [hbm4b:s2+s7], $0x80, s17, s7, $0xb8;
	[tilespmem:$0x10400] =	vst v63  }
0x75: {  	_ =	swait.ge [sflag:s13], $0x4000  }
0x76: {  	[sflag:s13] =	ssyncset.done $0x0  }
0x77: {  	[sflag:s13] =	ssyncadd.s32 $0xFFFFC000  }
0x78: {  	[hbm4b:s22+s7] =	stream.indirect.scatter [tilespmem:s18], [sflag:$0x1], $0x80, s3, s7, $0xb8;
	[tilespmem:$0x10400] =	vst v63  }
0x79: {  	_ =	swait.ge [sflag:s13], $0x4000  }
0x7a: {  	[sflag:s13] =	ssyncset.done $0x0  }
0x7b: {  	[sflag:s13] =	ssyncadd.s32 $0xFFFFC000  }
0x7c: {  	[hbm4b:s22+s7] =	stream.indirect.scatter [tilespmem:s19], [sflag:$0x1], $0x80, s7, s7, $0xb8;
	[tilespmem:$0x10400] =	vst v63  }
0x7d: {  	_ =	swait.ge [sflag:s13], $0x4000  }
0x7e: {  	[sflag:s13] =	ssyncset.done $0x0  }
0x7f: {  	[sflag:s13] =	ssyncadd.s32 $0xFFFFC000  }
0x80: {  	[hbm4b:s22+s7] =	stream.indirect.scatter [tilespmem:s20], [sflag:$0x1], $0x80, s9, s7, $0xb8;
	[tilespmem:$0x10400] =	vst v63  }
0x81: {  	_ =	swait.ge [sflag:s13], $0x4000  }
.Ltmp1:
0x82: {  	[sflag:s13] =	ssyncset.done $0x0;
	(pc) =	sbr.rel @p0 .LBB2_1-.Ltmp1, $4  }
0x83: {  	[sflag:s13] =	ssyncadd.s32 $0xFFFFC000  }
0x84: {  	[hbm4b:s22+s7] =	stream.indirect.scatter [tilespmem:s21], [sflag:$0x1], $0x80, s11, s7, $0xb8;
	[tilespmem:$0x10400] =	vst v63  }
0x85: {  	_ =	swait.ge [sflag:s13], $0x4000  }
0x86: {  	[sflag:s13] =	ssyncset.done $0x0  }
.LBB2_2:
0x87: {  	[sflag:s13] =	ssyncadd.s32 $0xFFFFC000  }
0x88: {  	_ =	sfence.sel $0x180000  }
0x89: {  	[bflag:$0x0] =	sbarrier.arrive $0xFFFF  }
0x8a: {  	p0 =	sne.s32 s1, $0x0;
	_ =	strace $0x9000004A  }
0x8b: {  	s0 =	sadd.s32 @!p0 $0x100000, s0;
	[bflag:$0x2] =	sbarrier.arrive $0xFFFF  }
0x8c: {  	[sflag:s0] =	ssyncadd.tile.s32 @!p0 $0x1;
	_ =	shalt  }
.Lfunc_end2:
_tile_overlayer_lowered:
.L_overlay_start_2:
0x8d: {  	(tag) =	ssettag $0x2  }
0x8e: {  	s0 =	rddreg [dreg:$0x0];
	s2 =	stileid.u32  }
0x8f: {  	s1 =	rddreg [dreg:$0x1];
	p0 =	sne.s32 s2, $0x0  }
0x90: {  	s3 =	rddreg [dreg:$0x2];
	[bflag:$0x3] =	sbarrier.arrive $0xFFFF;
	s2 =	simm.s32 @!p0 $0x1C02  }
0x91: {  	[timem:s3], [sflag:s2] =	dma.local @!p0 [hbm:s0], s1  }
0x92: {  	s0 =	simm.s32 @!p0 $0x2  }
0x93: {  	_ =	swait.ge @!p0 [sflag:s0], s1  }
0x94: {  	s1 =	ssub.s32 @!p0 $0x0, s1;
	[sflag:s0] =	ssyncset.done @!p0 $0x0  }
0x95: {  	[sflag:s0] =	ssyncadd.s32 @!p0 s1  }
0x96: {  	[bflag:$0x3] =	sbarrier.arrive $0xFFFF  }
0x97: {  	_ =	shalt  }

// kernel: sparse-core-data-format-call.cloned.1.call-start
scs
called_computation_lowered:
.L_overlay_start_0:
0x0: {  	s2 =	sld [smem:$0x3FD9]  }
0x1: {  	s3 =	sld [smem:$0x3FFE];
	_ =	sdelay $0x1  }
0x2: {  	s1 =	srdreg.scid  }
0x3: {  	s0 =	sand.u32 $0x1, s1  }
0x4: {  	s18 =	sshll.u32 s0, $0xA;
	s2 =	sadd.s32 s3, s2  }
0x5: {  	s2 =	sadd.s32 s2, s18  }
0x6: {  	[smem:$0x3FC5] =	sst s2  }
0x7: {  	_ = 	snop  }
0x8: {  	s2 =	sld [smem:$0x3FD0];
	(tm) =	ssettm $0x1  }
0x9: {  	s19 =	sld [smem:$0x3FFB];
	_ =	sdelay $0x3  }
0xa: {  	_ =	strace s19  }
0xb: {  	s3 =	sld [smem:$0x3FFC];
	_ =	sdelay $0x3  }
0xc: {  	_ =	strace s3  }
0xd: {  	s3 =	sld [smem:$0x3FFD];
	_ =	sdelay $0x3  }
0xe: {  	_ =	strace s3  }
0xf: {  	_ =	strace $0x8FFFFFFF  }
0x10: {  	s20 =	sld [smem:$0x3FDB];
	_ =	sdelay $0x1  }
0x11: {  	s4 =	simm.s32 $_scs_section_size  }
0x12: {  	s5 =	simm.s32 $_size__tile_overlayer_lowered;
	s6 =	simm.s32 $_tile_overlayer_lowered  }
0x13: {  	s23 =	simm.s32 $0x1BFF;
	s22 =	sshll.u32 s6, $0x1;
	s3 =	sadd.s32 s4, s20  }
0x14: {  	s7 =	simm.s32 $0x0;
	s21 =	sshll.u32 s5, $0x1;
	s5 =	sadd.s32 s22, s3  }
0x15: {  	[timem:s7], [sflag:s23] =	dma.local [hbm:s5], s21  }
0x16: {  	_ =	swait.ge [sflag:s23], s21  }
0x17: {  	s4 =	ssub.s32 $0x0, s21;
	[sflag:s23] =	ssyncset.done $0x0  }
0x18: {  	[sflag:s23] =	ssyncadd.s32 s4;
	_ =	sdelay $0x1  }
0x19: {  	s24 =	simm.s32 $0x1B8B  }
0x1a: {  	_ =	swait.ge [sflag:s24], $0x1  }
0x1b: {  	[sflag:s24] =	ssyncset.done $0x0  }
0x1c: {  	s26 =	simm.s32 $0x1B8E;
	s25 =	sld [smem:$0x3FFE];
	[sflag:s24] =	ssyncadd.s32 $0xFFFFFFFF  }
0x1d: {  	s27 =	simm.s32 $execute0_lowered;
	[smem:$0x3FD2] =	sst s26  }
0x1e: {  	s5 =	sshll.u32 s27, $0x1;
	_ =	strace $0x8000004C;
	[dreg:$0x1] =	wrdreg $0xFFFFFFFF  }
0x1f: {  	s28 =	simm.s32 $_size_execute0_lowered;
	s3 =	sadd.s32 s3, s5;
	[dreg:$0x0] =	wrdreg $0x0  }
0x20: {  	s5 =	sshll.u32 s28, $0x1;
	[dreg:$0x2] =	wrdreg s3  }
0x21: {  	[dreg:$0x3] =	wrdreg s5  }
0x22: {  	[dreg:$0x4] =	wrdreg $0xC0  }
0x23: {  	_ =	task [dreg:s7], $0x5FFFF  }
0x24: {  	[dreg:$0x1] =	wrdreg $0xFFFFFFFF  }
0x25: {  	[dreg:$0x0] =	wrdreg $0x60  }
0x26: {  	[dreg:$0x2] =	wrdreg s25  }
0x27: {  	[dreg:$0x3] =	wrdreg s2  }
0x28: {  	[dreg:$0x4] =	wrdreg $0x9  }
0x29: {  	_ =	task.clear_ibuf [dreg:s7], $0x5FFFF;
	_ =	strace $0x9000004C  }
0x2a: {  	s29 =	simm.s32 $0x9;
	_ =	strace $0x8000004E  }
0x2b: {  	_ =	swait.ge [sflag:s29], $0x1  }
0x2c: {  	[sflag:s29] =	ssyncadd.s32 $0xFFFFFFFF  }
0x2d: {  	_ =	strace $0x9000004E  }
0x2e: {  	_ =	sfence  }
0x2f: {  	s30 =	sld [smem:$0x0];
	_ =	sdelay $0x2  }
0x30: {  	s31 =	sshll.u32 s1, $0xD;
	s1 =	sshrl.u32 s1, $0x2  }
0x31: {  	s3 =	sand.u32 $0x4000, s31;
	s1 =	sadd.s32 s1, s30  }
0x32: {  	s0 =	sor.u32 s3, s0;
	s1 =	sshll.u32 s1, $0x11  }
0x33: {  	s0 =	sor.u32 s1, s0  }
0x34: {  	s0 =	sadd.s32 $0x8F2B, s0  }
0x35: {  	[sflag:s0] =	ssyncadd.remote.s32 $0x1  }
0x36: {  	_ =	sfence.sel $0xFFFF  }
0x37: {  	[dreg:$0x0] =	wrdreg $0xFFFFFFFF;
	(pc) =	sbr.abs _section_cstart, $3  }
0x38: {  	[dreg:$0x1] =	wrdreg $0xFFFFFFFF  }
0x39: {  	_ =	task.clear_ibuf [dreg:s7], $0x2FFFF;
	_ =	strace $0x9FFFFFFF  }
0x3a: {  	(tm) =	ssettm $0x7FFFFFFF  }
0x3b: {  	_ =	shalt  }
tec
execute0_lowered:
.L_overlay_start_1:
0x0: {  	(tag) =	ssettag $0x1  }
0x1: {  	s0 =	srdreg.scid  }
0x2: {  	s1 =	sshll.u32 s0, $0x4  }
0x3: {  	s4 =	rddreg [dreg:$0x0];
	s0 =	stileid.u32;
	s1 =	sand.u32 $0x10, s1  }
0x4: {  	s2 =	rddreg [dreg:$0x1];
	s7 =	simm.s32 $0x1;
	s1 =	sor.u32 s0, s1  }
0x5: {  	s8 =	simm.s32 $0x2;
	s11 =	simm.s32 $0x0;
	s3 =	sshll.u32 s1, $0x7  }
0x6: {  	s10 =	simm.s32 $0x0;
	s4 =	sadd.s32 $0x408E00, s4;
	s6 =	ssub.s32 $0x40000, s3  }
.Ltmp0:
0x7: {  	s1 =	rddreg [dreg:$0x2];
	s5 =	sand.u32 $0xF80, s6;
	(pc) =	sbr.rel .LBB1_1-.Ltmp0, $4  }
0x8: {  	_ =	strace $0x8000004D;
	s9 =	smov.u32 s3;
	p0 =	sne.s32 s5, $0x0  }
0x9: {  	s6 =	sshrl.u32 s6, $0xC;
	s5 =	simm.s32 $0x1;
	s7 =	simm.s32 @!p0 $0x0  }
0xa: {  	[sflag:s5] =	ssyncpa.u1 $0x0;
	p0 =	por $0x0, $0x0;
	s6 =	sadd.s32 s7, s6  }
0xb: {  	[sflag:s8] =	ssyncpa.u1 $0x0;
	s8 =	simm.s32 $0x200000;
	s7 =	sadd.s32 $0x1, s6  }
.LBB1_4:
0xc: {  	s14 =	sshll.u32 s11, $0x3  }
0xd: {  	s15 =	sand.u32 $0x78, s11;
	s14 =	sand.u32 $0x3FC00, s14  }
0xe: {  	[tilespmem:s13+$0x810 ss:$0x81] =	vst.msk $0xffff, v2;
	s29 =	sand.u32 $0x1F8000, s11;
	s30 =	sand.u32 $0x7, s11;
	s14 =	sor.u32 s15, s14  }
0xf: {  	[tilespmem:s13+$0x1020 ss:$0x81] =	vst.msk $0xffff, v0;
	s11 =	sshll.u32 s30, $0x12;
	s15 =	sadd.s32 s2, s29;
	s14 =	sshrl.u32 s14, $0x3  }
0x10: {  	[tilespmem:s13+$0x0 ss:$0x81] =	vst.msk $0xffff, v1;
	s11 =	sor.u32 $0x400, s11;
	s31 =	sadd.s32 s14, s15  }
0x11: {  	[hbm4b:s31+s11] =	stream.strided.scatter [tilespmem:s12], [sflag:$0x2], $0x2000, s8, s11, $0x20;
	[tilespmem:$0x8080] =	vst v63  }
.LBB1_5:
0x12: {  	s13 =	sadd.s32 $0x1000, s9  }
0x13: {  	p2 =	sgt.s32 s13, $0x3FFFF  }
0x14: {  	s13 =	smov.u32 @p2 s3;
	p2 =	sne.s32 s10, s7  }
.Ltmp1:
0x15: {  	p1 =	slt.u32 s10, $0x2;
	(pc) =	sbr.rel @!p2 .LBB1_6-.Ltmp1, $4  }
0x16: {  	s12 =	simm.s32 @!p1 $0x2  }
0x17: {  	s14 =	sadd.s32 $0x1, s10;
	_ =	swait.ge @!p1 [sflag:s12], $0x2000  }
0x18: {  	s11 =	smov.u32 s9;
	p0 =	por !p0, !p0;
	[sflag:s12] =	ssyncset.done @!p1 $0x0  }
0x19: {  	s10 =	smov.u32 s14;
	s9 =	smov.u32 s13;
	[sflag:s12] =	ssyncadd.s32 @!p1 $0xFFFFE000  }
.LBB1_1:
0x1a: {  	p1 =	sge.u32 s10, s6  }
0x1b: {  	s31 =	sadd.s32 $0xFFFFFFFF, s10;
	s12 =	sxor.u32 @!p1 $0xFFFFFFFF, s10;
	s13 =	sshll.u32 @!p1 s9, $0x4  }
0x1c: {  	s14 =	simm.s32 @!p1 $0x40;
	s12 =	sshll.u32 @!p1 s12, $0xD;
	s13 =	sand.u32 @!p1 $0x3FFFF0, s13  }
0x1d: {  	s15 =	simm.s32 @!p1 $0x80;
	s12 =	sand.u32 @!p1 $0x2000, s12;
	s13 =	sadd.s32 @!p1 s4, s13  }
0x1e: {  	[tilespmem:s12], [sflag:$0x1] =	stream.strided.gather @!p1 [hbm4b:s13+s14], $0x2000, s15, s14, $0x38;
	[tilespmem:$0x8080] =	vst v63  }
0x1f: {  	p1 =	sge.u32 s31, s6  }
.Ltmp2:
0x20: {  	_ = 	snop;
	(pc) =	sbr.rel @p1 .LBB1_5-.Ltmp2, $1  }
0x21: {  	_ =	sdelay $0x3  }
0x22: {  	s12 =	simm.s32 $0x1  }
0x23: {  	_ =	swait.ge [sflag:s5], $0x2000;
	s12 =	simm.s32 @!p0 $0x0  }
0x24: {  	[sflag:s5] =	ssyncset.done $0x0;
	s13 =	sshll.u32 s12, $0xD  }
0x25: {  	[sflag:s5] =	ssyncadd.s32 $0xFFFFE000;
	s16 =	sor.u32 $0x20, s13  }
0x26: {  	s12 =	smul.u32 $0x8100, s12;
	v3 =	vld [tilespmem:s16+$0x10]  }
0x27: {  	s30 =	sand.u32 $0x1, s10;
	v2 =	vld [tilespmem:s16+$0xFFFFFFF0]  }
0x28: {  	s13 =	smul.u32 $0x8100, s30;
	s12 =	sshrl.u32 s12, $0x2;
	v0 =	vld [tilespmem:s16+$0x0]  }
0x29: {  	v1 =	vld [tilespmem:s16+$0xFFFFFFE0];
	s14 =	sor.u32 $0x4000, s12  }
0x2a: {  	s31 =	sshrl.u32 s13, $0x2;
	s13 =	sadd.s32 $0x0, s14  }
0x2b: {  	s15 =	simm.s32 $0x4;
	s16 =	sadd.s32 $0x40, s16;
	s12 =	sor.u32 $0x4000, s31;
	[tilespmem:s13+$0x1830 ss:$0x81] =	vst.msk $0xffff, v3  }
.LBB1_3:
0x2c: {  	v3 =	vld [tilespmem:s16+$0x10];
	p1 =	sne.s32 s15, $0x1FC;
	[tilespmem:s13+$0x810 ss:$0x81] =	vst.msk $0xffff, v2;
	s17 =	smov.u32 s15;
	s15 =	sadd.s32 $0x4, s15  }
.Ltmp3:
0x2d: {  	v2 =	vld [tilespmem:s16+$0xFFFFFFF0];
	[tilespmem:s13+$0x1020 ss:$0x81] =	vst.msk $0xffff, v0;
	(pc) =	sbr.rel @p1 .LBB1_3-.Ltmp3, $4  }
0x2e: {  	v0 =	vld [tilespmem:s16+$0x0];
	[tilespmem:s13+$0x0 ss:$0x81] =	vst.msk $0xffff, v1  }
0x2f: {  	s13 =	sshra.s32 s17, $0x2;
	v1 =	vld [tilespmem:s16+$0xFFFFFFE0]  }
0x30: {  	s13 =	sadd.s32 s13, s14  }
0x31: {  	s16 =	sadd.s32 $0x40, s16;
	[tilespmem:s13+$0x1830 ss:$0x81] =	vst.msk $0xffff, v3  }
.Ltmp4:
0x32: {  	_ = 	snop;
	(pc) =	sbr.rel .LBB1_4-.Ltmp4, $1  }
0x33: {  	_ =	sdelay $0x3  }
.LBB1_6:
0x34: {  	_ =	sfence.sel $0x180000  }
0x35: {  	s2 =	simm.s32 $0x1;
	[bflag:$0x0] =	sbarrier.arrive $0xFFFF  }
0x36: {  	s31 =	simm.s32 $0x2;
	[sflag:s2] =	ssyncpa.u1 $0x1  }
0x37: {  	[sflag:s31] =	ssyncpa.u1 $0x1  }
0x38: {  	p0 =	sne.s32 s0, $0x0;
	_ =	strace $0x9000004D  }
0x39: {  	s0 =	sadd.s32 @!p0 $0x100000, s1;
	[bflag:$0x2] =	sbarrier.arrive $0xFFFF  }
0x3a: {  	[sflag:s0] =	ssyncadd.tile.s32 @!p0 $0x1;
	_ =	shalt  }
.Lfunc_end1:
_tile_overlayer_lowered:
.L_overlay_start_2:
0x3b: {  	(tag) =	ssettag $0x2  }
0x3c: {  	s0 =	rddreg [dreg:$0x0];
	s2 =	stileid.u32  }
0x3d: {  	s1 =	rddreg [dreg:$0x1];
	p0 =	sne.s32 s2, $0x0  }
0x3e: {  	s3 =	rddreg [dreg:$0x2];
	[bflag:$0x3] =	sbarrier.arrive $0xFFFF;
	s2 =	simm.s32 @!p0 $0x1C01  }
0x3f: {  	[timem:s3], [sflag:s2] =	dma.local @!p0 [hbm:s0], s1  }
0x40: {  	s0 =	simm.s32 @!p0 $0x1  }
0x41: {  	_ =	swait.ge @!p0 [sflag:s0], s1  }
0x42: {  	s1 =	ssub.s32 @!p0 $0x0, s1;
	[sflag:s0] =	ssyncset.done @!p0 $0x0  }
0x43: {  	[sflag:s0] =	ssyncadd.s32 @!p0 s1  }
0x44: {  	[bflag:$0x3] =	sbarrier.arrive $0xFFFF  }
0x45: {  	_ =	shalt  }

</sc_bundles>
